<compile_context>
chip_gen: v7x
topology: tpu7x:2x2x1
jax: 0.10.2.dev20260603
libtpu: 0.0.44.dev20260713+nightly
codegen_flags: <defaults>
</compile_context>

<pallas_src>
import jax
import jax.numpy as jnp
from jax import lax
from jax.experimental import pallas as pl
from jax.experimental.pallas import tpu as pltpu
from jax.experimental.pallas import tpu_sc as plsc

NUM_PROMPTS = 64
PROMPT_DIM = 1024
PROMPT_LENGTH = 4
KEY_DIM = 1024
TOP_K = 8
INV_TEMP = 1.0 / (1.0 + 1e-8)

B_TOTAL = 8192
SIM_BLK = 2048
OUT_BLK = 512

SC_CORES = 2
SC_SUBCORES = 16
SC_WORKERS = SC_CORES * SC_SUBCORES
COLS_PER_W = B_TOTAL // SC_WORKERS
LANES = 16
GROUPS = COLS_PER_W // LANES


def _sim_body(q_ref, k_ref, s_ref):
    k = k_ref[...]
    kn = k / jnp.maximum(
        jnp.sqrt(jnp.sum(k * k, axis=-1, keepdims=True)), 1e-12)
    q = q_ref[...]
    qn = q / jnp.maximum(
        jnp.sqrt(jnp.sum(q * q, axis=-1, keepdims=True)), 1e-12)
    s_ref[...] = lax.dot_general(kn, qn, (((1,), (1,)), ((), ())),
                                 preferred_element_type=jnp.float32)


def _out_body(st_ref, simt_ref, p_ref, o_ref):
    st = st_ref[...]
    t = st[0:1, :]
    mx = st[1:2, :]
    recip = st[2:3, :]
    budget = st[3:4, :]
    s = simt_ref[...]
    gt = s > t
    eq = s == t
    eqf = jnp.where(eq, 1.0, 0.0)
    pref = eqf
    k = 1
    while k < NUM_PROMPTS:
        shifted = jnp.concatenate(
            [jnp.zeros((k, s.shape[1]), jnp.float32), pref[:-k, :]], axis=0)
        pref = pref + shifted
        k *= 2
    excl = pref - eqf
    take = jnp.logical_or(gt, jnp.logical_and(eq, excl < budget))
    w = jnp.where(take, jnp.exp((s - mx) * INV_TEMP) * recip, 0.0)
    o_ref[...] = lax.dot_general(w, p_ref[...],
                                 (((0,), (0,)), ((), ())),
                                 preferred_element_type=jnp.float32)


def _route_body(simt_hbm, st_hbm, sim_v, st_v):
    wid = lax.axis_index("s") * SC_CORES + lax.axis_index("c")
    base = wid * COLS_PER_W
    pltpu.sync_copy(simt_hbm.at[:, pl.ds(base, COLS_PER_W)], sim_v)

    def one_group(off):
        r = [jnp.full((LANES,), -jnp.inf, jnp.float32) for _ in range(TOP_K)]
        for n in range(NUM_PROMPTS):
            x = sim_v[n, pl.ds(off, LANES)]
            for i in range(TOP_K):
                hi = jnp.maximum(r[i], x)
                x = jnp.minimum(r[i], x)
                r[i] = hi
        t = r[TOP_K - 1]
        mx = r[0]
        denom = jnp.full((LANES,), 0.0, jnp.float32)
        cgt = jnp.full((LANES,), 0.0, jnp.float32)
        one = jnp.full((LANES,), 1.0, jnp.float32)
        zero = jnp.full((LANES,), 0.0, jnp.float32)
        for i in range(TOP_K):
            denom = denom + jnp.exp((r[i] - mx) * INV_TEMP)
            cgt = cgt + jnp.where(r[i] > t, one, zero)
        st_v[0, pl.ds(off, LANES)] = t
        st_v[1, pl.ds(off, LANES)] = mx
        st_v[2, pl.ds(off, LANES)] = 1.0 / denom
        st_v[3, pl.ds(off, LANES)] = TOP_K - cgt

    def group(g, carry):
        one_group(g * LANES)
        return carry

    lax.fori_loop(0, GROUPS, group, 0)
    pltpu.sync_copy(st_v, st_hbm.at[:, pl.ds(base, COLS_PER_W)])


_route = pl.kernel(
    _route_body,
    out_type=jax.ShapeDtypeStruct((8, B_TOTAL), jnp.float32),
    mesh=plsc.VectorSubcoreMesh(core_axis_name="c", subcore_axis_name="s",
                                num_cores=SC_CORES,
                                num_subcores=SC_SUBCORES),
    scratch_types=[
        pltpu.VMEM((NUM_PROMPTS, COLS_PER_W), jnp.float32),
        pltpu.VMEM((8, COLS_PER_W), jnp.float32),
    ],
)


@jax.jit
def kernel(query, prompts, keys):
    B = query.shape[0]
    p_flat = prompts.reshape(NUM_PROMPTS, PROMPT_LENGTH * PROMPT_DIM)

    simt = pl.pallas_call(
        _sim_body,
        grid=(B // SIM_BLK,),
        in_specs=[
            pl.BlockSpec((SIM_BLK, KEY_DIM), lambda i: (i, 0)),
            pl.BlockSpec((NUM_PROMPTS, KEY_DIM), lambda i: (0, 0)),
        ],
        out_specs=pl.BlockSpec((NUM_PROMPTS, SIM_BLK), lambda i: (0, i)),
        out_shape=jax.ShapeDtypeStruct((NUM_PROMPTS, B), jnp.float32),
    )(query, keys)
    stats = _route(simt)

    out = pl.pallas_call(
        _out_body,
        grid=(B // OUT_BLK,),
        in_specs=[
            pl.BlockSpec((8, OUT_BLK), lambda i: (0, i)),
            pl.BlockSpec((NUM_PROMPTS, OUT_BLK), lambda i: (0, i)),
            pl.BlockSpec((NUM_PROMPTS, PROMPT_LENGTH * PROMPT_DIM),
                         lambda i: (0, 0)),
        ],
        out_specs=pl.BlockSpec((OUT_BLK, PROMPT_LENGTH * PROMPT_DIM),
                               lambda i: (i, 0)),
        out_shape=jax.ShapeDtypeStruct((B, PROMPT_LENGTH * PROMPT_DIM),
                                       jnp.float32),
    )(stats, simt, p_flat)
    return out.reshape(B, PROMPT_LENGTH, PROMPT_DIM)

# --- scband reference (transcript-rebuilt; emitter-appended) ---
"""Pipeline reference for scband-prompt-pool-9749575762450 (READ-ONLY COPY).

The authoritative reference and input builder live on the scoring server;
editing this copy changes nothing except your own understanding.
"""

import jax, jax.numpy as jnp
import numpy as np

NUM_PROMPTS = 64
PROMPT_DIM = 1024
PROMPT_LENGTH = 4
KEY_DIM = 1024
TOP_K = 8
TEMPERATURE = 1.0

def setup_inputs(seed: int = 0) -> dict:
    key = jax.random.key(seed)
    k1, k2, k3 = jax.random.split(key, 3)
    query = jax.random.normal(k1, (8192, KEY_DIM), dtype=jnp.float32)
    prompts = jax.random.normal(k2, (NUM_PROMPTS, PROMPT_LENGTH, PROMPT_DIM), dtype=jnp.float32) * 0.02
    keys = jax.random.normal(k3, (NUM_PROMPTS, KEY_DIM), dtype=jnp.float32) * 0.02
    return {"query": query, "prompts": prompts, "keys": keys}

def _normalize(x, eps=1e-12):
    n = jnp.linalg.norm(x, axis=-1, keepdims=True)
    return x / jnp.maximum(n, eps)

def reference(query, prompts, keys):
    # cosine similarity (normalize_keys=True)
    q = _normalize(query)
    k = _normalize(keys)
    sim = jnp.matmul(q, k.T)  # [B, N]
    B, N = sim.shape
    # top-k masking (top_k < N)
    topk_vals, topk_idx = jax.lax.top_k(sim, TOP_K)
    mask = jnp.full_like(sim, -jnp.inf)
    rows = jnp.arange(B)[:, None]
    mask = mask.at[rows, topk_idx].set(topk_vals)
    logits = mask / (TEMPERATURE + 1e-08)
    weights = jax.nn.softmax(logits, axis=-1)  # [B, N], zeros off top-k
    # soft selection: weighted sum of prompts
    # summed[b, l, d] = sum_n weights[b, n] * prompts[n, l, d]
    summed = jnp.einsum('bn,nld->bld', weights, prompts)
    return summed

if __name__ == "__main__":
    import jax
    _d = setup_inputs()
    print(jax.jit(kernel)(*tuple(_d.values())))

</pallas_src>

<mosaic_0001>
#map = affine_map<(d0, d1) -> (0, 0)>
module attributes {stable_mosaic.version = 14 : i64} {
  func.func @_route_body(%arg0: i32, %arg1: i32, %arg2: memref<64x8192xf32, #tpu.memory_space<hbm>>, %arg3: memref<8x8192xf32, #tpu.memory_space<hbm>>, %arg4: memref<64x256xf32, #tpu.memory_space<vmem>>, %arg5: memref<8x256xf32, #tpu.memory_space<vmem>>) attributes {dimension_semantics = [#tpu.dimension_semantics<core_parallel>, #tpu.dimension_semantics<subcore_parallel>], iteration_bounds = array<i64: 2, 16>, scalar_prefetch = 0 : i64, scratch_operands = 2 : i64, tpu.core_type = #tpu.core_type<sc_vector_subcore>, window_params = [{transform_indices = #map}, {transform_indices = #map}]} {
    %mul3A = arith.constant 2 : i32
    %mul3A_0 = arith.muli %arg1, %mul3A : i32
    %add3A = arith.addi %mul3A_0, %arg0 : i32
    %mul3A_1 = arith.constant 256 : i32
    %mul3A_2 = arith.muli %add3A, %mul3A_1 : i32
    "tpu.region"() ({
      %run_scoped3A = tpu.sem_alloc : memref<!tpu.dma_semaphore, #tpu.memory_space<semaphore_mem>>
      %dma_start3A = arith.constant 0 : i32
      %dma_start3A_8 = tpu.memref_slice %arg2[%dma_start3A, %mul3A_2] : memref<64x8192xf32, #tpu.memory_space<hbm>> -> memref<64x256xf32, #tpu.memory_space<hbm>>
      %dma_start3A_9 = arith.constant 0 : i32
      %dma_start3A_10 = tpu.memref_slice %arg2[%dma_start3A_9, %mul3A_2] : memref<64x8192xf32, #tpu.memory_space<hbm>> -> memref<64x256xf32, #tpu.memory_space<hbm>>
      tpu.enqueue_dma source(%dma_start3A_10 : memref<64x256xf32, #tpu.memory_space<hbm>>) target(%arg4 : memref<64x256xf32, #tpu.memory_space<vmem>>) target_semaphore(%run_scoped3A : memref<!tpu.dma_semaphore, #tpu.memory_space<semaphore_mem>>)
      %dma_wait3A = arith.constant 0 : i32
      %dma_wait3A_11 = tpu.memref_slice %arg2[%dma_wait3A, %mul3A_2] : memref<64x8192xf32, #tpu.memory_space<hbm>> -> memref<64x256xf32, #tpu.memory_space<hbm>>
      %dma_wait3A_12 = arith.constant 0 : i32
      %dma_wait3A_13 = tpu.memref_slice %arg2[%dma_wait3A_12, %mul3A_2] : memref<64x8192xf32, #tpu.memory_space<hbm>> -> memref<64x256xf32, #tpu.memory_space<hbm>>
      tpu.wait_dma2 semaphore(%run_scoped3A : memref<!tpu.dma_semaphore, #tpu.memory_space<semaphore_mem>>) src(%dma_wait3A_13 : memref<64x256xf32, #tpu.memory_space<hbm>>) dst(%arg4 : memref<64x256xf32, #tpu.memory_space<vmem>>)
      tpu.yield
    }) : () -> ()
    %scan3A = arith.constant 0 : i32
    %scan3A_3 = arith.constant 0 : i32
    %scan3A_4 = arith.constant 16 : i32
    %scan3A_5 = arith.addi %scan3A_3, %scan3A_4 : i32
    %scan3A_6 = arith.constant 1 : i32
    scf.for %scan3A_8 = %scan3A_3 to %scan3A_5 step %scan3A_6  : i32 {
      %mul3A_9 = arith.constant 16 : i32
      %mul3A_10 = arith.muli %scan3A_8, %mul3A_9 : i32
      %broadcast_in_dim3A = arith.constant 0xFF800000 : f32
      %broadcast_in_dim3A_11 = vector.broadcast %broadcast_in_dim3A : f32 to vector<16xf32>
      %broadcast_in_dim3A_12 = arith.constant 0xFF800000 : f32
      %broadcast_in_dim3A_13 = vector.broadcast %broadcast_in_dim3A_12 : f32 to vector<16xf32>
      %broadcast_in_dim3A_14 = arith.constant 0xFF800000 : f32
      %broadcast_in_dim3A_15 = vector.broadcast %broadcast_in_dim3A_14 : f32 to vector<16xf32>
      %broadcast_in_dim3A_16 = arith.constant 0xFF800000 : f32
      %broadcast_in_dim3A_17 = vector.broadcast %broadcast_in_dim3A_16 : f32 to vector<16xf32>
      %broadcast_in_dim3A_18 = arith.constant 0xFF800000 : f32
      %broadcast_in_dim3A_19 = vector.broadcast %broadcast_in_dim3A_18 : f32 to vector<16xf32>
      %broadcast_in_dim3A_20 = arith.constant 0xFF800000 : f32
      %broadcast_in_dim3A_21 = vector.broadcast %broadcast_in_dim3A_20 : f32 to vector<16xf32>
      %broadcast_in_dim3A_22 = arith.constant 0xFF800000 : f32
      %broadcast_in_dim3A_23 = vector.broadcast %broadcast_in_dim3A_22 : f32 to vector<16xf32>
      %broadcast_in_dim3A_24 = arith.constant 0xFF800000 : f32
      %broadcast_in_dim3A_25 = vector.broadcast %broadcast_in_dim3A_24 : f32 to vector<16xf32>
      %get3A = arith.constant 0 : i32
      %get3A_26 = arith.index_cast %get3A : i32 to index
      %get3A_27 = arith.index_cast %mul3A_10 : i32 to index
      %get3A_28 = tpu.vector_load %arg4[%get3A_26, %get3A_27] {strides = array<i32>} : memref<64x256xf32, #tpu.memory_space<vmem>>, vector<1x16xf32>,
      %get3A_29 = vector.shape_cast %get3A_28 : vector<1x16xf32> to vector<16xf32>
      %max3A = arith.maximumf %broadcast_in_dim3A_11, %get3A_29 : vector<16xf32>
      %min3A = arith.minimumf %broadcast_in_dim3A_11, %get3A_29 : vector<16xf32>
      %max3A_30 = arith.maximumf %broadcast_in_dim3A_13, %min3A : vector<16xf32>
      %min3A_31 = arith.minimumf %broadcast_in_dim3A_13, %min3A : vector<16xf32>
      %max3A_32 = arith.maximumf %broadcast_in_dim3A_15, %min3A_31 : vector<16xf32>
      %min3A_33 = arith.minimumf %broadcast_in_dim3A_15, %min3A_31 : vector<16xf32>
      %max3A_34 = arith.maximumf %broadcast_in_dim3A_17, %min3A_33 : vector<16xf32>
      %min3A_35 = arith.minimumf %broadcast_in_dim3A_17, %min3A_33 : vector<16xf32>
      %max3A_36 = arith.maximumf %broadcast_in_dim3A_19, %min3A_35 : vector<16xf32>
      %min3A_37 = arith.minimumf %broadcast_in_dim3A_19, %min3A_35 : vector<16xf32>
      %max3A_38 = arith.maximumf %broadcast_in_dim3A_21, %min3A_37 : vector<16xf32>
      %min3A_39 = arith.minimumf %broadcast_in_dim3A_21, %min3A_37 : vector<16xf32>
      %max3A_40 = arith.maximumf %broadcast_in_dim3A_23, %min3A_39 : vector<16xf32>
      %min3A_41 = arith.minimumf %broadcast_in_dim3A_23, %min3A_39 : vector<16xf32>
      %max3A_42 = arith.maximumf %broadcast_in_dim3A_25, %min3A_41 : vector<16xf32>
      %min3A_43 = arith.minimumf %broadcast_in_dim3A_25, %min3A_41 : vector<16xf32>
      %get3A_44 = arith.constant 1 : i32
      %get3A_45 = arith.index_cast %get3A_44 : i32 to index
      %get3A_46 = arith.index_cast %mul3A_10 : i32 to index
      %get3A_47 = tpu.vector_load %arg4[%get3A_45, %get3A_46] {strides = array<i32>} : memref<64x256xf32, #tpu.memory_space<vmem>>, vector<1x16xf32>,
      %get3A_48 = vector.shape_cast %get3A_47 : vector<1x16xf32> to vector<16xf32>
      %max3A_49 = arith.maximumf %max3A, %get3A_48 : vector<16xf32>
      %min3A_50 = arith.minimumf %max3A, %get3A_48 : vector<16xf32>
      %max3A_51 = arith.maximumf %max3A_30, %min3A_50 : vector<16xf32>
      %min3A_52 = arith.minimumf %max3A_30, %min3A_50 : vector<16xf32>
      %max3A_53 = arith.maximumf %max3A_32, %min3A_52 : vector<16xf32>
      %min3A_54 = arith.minimumf %max3A_32, %min3A_52 : vector<16xf32>
      %max3A_55 = arith.maximumf %max3A_34, %min3A_54 : vector<16xf32>
      %min3A_56 = arith.minimumf %max3A_34, %min3A_54 : vector<16xf32>
      %max3A_57 = arith.maximumf %max3A_36, %min3A_56 : vector<16xf32>
      %min3A_58 = arith.minimumf %max3A_36, %min3A_56 : vector<16xf32>
      %max3A_59 = arith.maximumf %max3A_38, %min3A_58 : vector<16xf32>
      %min3A_60 = arith.minimumf %max3A_38, %min3A_58 : vector<16xf32>
      %max3A_61 = arith.maximumf %max3A_40, %min3A_60 : vector<16xf32>
      %min3A_62 = arith.minimumf %max3A_40, %min3A_60 : vector<16xf32>
      %max3A_63 = arith.maximumf %max3A_42, %min3A_62 : vector<16xf32>
      %min3A_64 = arith.minimumf %max3A_42, %min3A_62 : vector<16xf32>
      %get3A_65 = arith.constant 2 : i32
      %get3A_66 = arith.index_cast %get3A_65 : i32 to index
      %get3A_67 = arith.index_cast %mul3A_10 : i32 to index
      %get3A_68 = tpu.vector_load %arg4[%get3A_66, %get3A_67] {strides = array<i32>} : memref<64x256xf32, #tpu.memory_space<vmem>>, vector<1x16xf32>,
      %get3A_69 = vector.shape_cast %get3A_68 : vector<1x16xf32> to vector<16xf32>
      %max3A_70 = arith.maximumf %max3A_49, %get3A_69 : vector<16xf32>
      %min3A_71 = arith.minimumf %max3A_49, %get3A_69 : vector<16xf32>
      %max3A_72 = arith.maximumf %max3A_51, %min3A_71 : vector<16xf32>
      %min3A_73 = arith.minimumf %max3A_51, %min3A_71 : vector<16xf32>
      %max3A_74 = arith.maximumf %max3A_53, %min3A_73 : vector<16xf32>
      %min3A_75 = arith.minimumf %max3A_53, %min3A_73 : vector<16xf32>
      %max3A_76 = arith.maximumf %max3A_55, %min3A_75 : vector<16xf32>
      %min3A_77 = arith.minimumf %max3A_55, %min3A_75 : vector<16xf32>
      %max3A_78 = arith.maximumf %max3A_57, %min3A_77 : vector<16xf32>
      %min3A_79 = arith.minimumf %max3A_57, %min3A_77 : vector<16xf32>
      %max3A_80 = arith.maximumf %max3A_59, %min3A_79 : vector<16xf32>
      %min3A_81 = arith.minimumf %max3A_59, %min3A_79 : vector<16xf32>
      %max3A_82 = arith.maximumf %max3A_61, %min3A_81 : vector<16xf32>
      %min3A_83 = arith.minimumf %max3A_61, %min3A_81 : vector<16xf32>
      %max3A_84 = arith.maximumf %max3A_63, %min3A_83 : vector<16xf32>
      %min3A_85 = arith.minimumf %max3A_63, %min3A_83 : vector<16xf32>
      %get3A_86 = arith.constant 3 : i32
      %get3A_87 = arith.index_cast %get3A_86 : i32 to index
      %get3A_88 = arith.index_cast %mul3A_10 : i32 to index
      %get3A_89 = tpu.vector_load %arg4[%get3A_87, %get3A_88] {strides = array<i32>} : memref<64x256xf32, #tpu.memory_space<vmem>>, vector<1x16xf32>,
      %get3A_90 = vector.shape_cast %get3A_89 : vector<1x16xf32> to vector<16xf32>
      %max3A_91 = arith.maximumf %max3A_70, %get3A_90 : vector<16xf32>
      %min3A_92 = arith.minimumf %max3A_70, %get3A_90 : vector<16xf32>
      %max3A_93 = arith.maximumf %max3A_72, %min3A_92 : vector<16xf32>
      %min3A_94 = arith.minimumf %max3A_72, %min3A_92 : vector<16xf32>
      %max3A_95 = arith.maximumf %max3A_74, %min3A_94 : vector<16xf32>
      %min3A_96 = arith.minimumf %max3A_74, %min3A_94 : vector<16xf32>
      %max3A_97 = arith.maximumf %max3A_76, %min3A_96 : vector<16xf32>
      %min3A_98 = arith.minimumf %max3A_76, %min3A_96 : vector<16xf32>
      %max3A_99 = arith.maximumf %max3A_78, %min3A_98 : vector<16xf32>
      %min3A_100 = arith.minimumf %max3A_78, %min3A_98 : vector<16xf32>
      %max3A_101 = arith.maximumf %max3A_80, %min3A_100 : vector<16xf32>
      %min3A_102 = arith.minimumf %max3A_80, %min3A_100 : vector<16xf32>
      %max3A_103 = arith.maximumf %max3A_82, %min3A_102 : vector<16xf32>
      %min3A_104 = arith.minimumf %max3A_82, %min3A_102 : vector<16xf32>
      %max3A_105 = arith.maximumf %max3A_84, %min3A_104 : vector<16xf32>
      %min3A_106 = arith.minimumf %max3A_84, %min3A_104 : vector<16xf32>
      %get3A_107 = arith.constant 4 : i32
      %get3A_108 = arith.index_cast %get3A_107 : i32 to index
      %get3A_109 = arith.index_cast %mul3A_10 : i32 to index
      %get3A_110 = tpu.vector_load %arg4[%get3A_108, %get3A_109] {strides = array<i32>} : memref<64x256xf32, #tpu.memory_space<vmem>>, vector<1x16xf32>,
      %get3A_111 = vector.shape_cast %get3A_110 : vector<1x16xf32> to vector<16xf32>
      %max3A_112 = arith.maximumf %max3A_91, %get3A_111 : vector<16xf32>
      %min3A_113 = arith.minimumf %max3A_91, %get3A_111 : vector<16xf32>
      %max3A_114 = arith.maximumf %max3A_93, %min3A_113 : vector<16xf32>
      %min3A_115 = arith.minimumf %max3A_93, %min3A_113 : vector<16xf32>
      %max3A_116 = arith.maximumf %max3A_95, %min3A_115 : vector<16xf32>
      %min3A_117 = arith.minimumf %max3A_95, %min3A_115 : vector<16xf32>
      %max3A_118 = arith.maximumf %max3A_97, %min3A_117 : vector<16xf32>
      %min3A_119 = arith.minimumf %max3A_97, %min3A_117 : vector<16xf32>
      %max3A_120 = arith.maximumf %max3A_99, %min3A_119 : vector<16xf32>
      %min3A_121 = arith.minimumf %max3A_99, %min3A_119 : vector<16xf32>
      %max3A_122 = arith.maximumf %max3A_101, %min3A_121 : vector<16xf32>
      %min3A_123 = arith.minimumf %max3A_101, %min3A_121 : vector<16xf32>
      %max3A_124 = arith.maximumf %max3A_103, %min3A_123 : vector<16xf32>
      %min3A_125 = arith.minimumf %max3A_103, %min3A_123 : vector<16xf32>
      %max3A_126 = arith.maximumf %max3A_105, %min3A_125 : vector<16xf32>
      %min3A_127 = arith.minimumf %max3A_105, %min3A_125 : vector<16xf32>
      %get3A_128 = arith.constant 5 : i32
      %get3A_129 = arith.index_cast %get3A_128 : i32 to index
      %get3A_130 = arith.index_cast %mul3A_10 : i32 to index
      %get3A_131 = tpu.vector_load %arg4[%get3A_129, %get3A_130] {strides = array<i32>} : memref<64x256xf32, #tpu.memory_space<vmem>>, vector<1x16xf32>,
      %get3A_132 = vector.shape_cast %get3A_131 : vector<1x16xf32> to vector<16xf32>
      %max3A_133 = arith.maximumf %max3A_112, %get3A_132 : vector<16xf32>
      %min3A_134 = arith.minimumf %max3A_112, %get3A_132 : vector<16xf32>
      %max3A_135 = arith.maximumf %max3A_114, %min3A_134 : vector<16xf32>
      %min3A_136 = arith.minimumf %max3A_114, %min3A_134 : vector<16xf32>
      %max3A_137 = arith.maximumf %max3A_116, %min3A_136 : vector<16xf32>
      %min3A_138 = arith.minimumf %max3A_116, %min3A_136 : vector<16xf32>
      %max3A_139 = arith.maximumf %max3A_118, %min3A_138 : vector<16xf32>
      %min3A_140 = arith.minimumf %max3A_118, %min3A_138 : vector<16xf32>
      %max3A_141 = arith.maximumf %max3A_120, %min3A_140 : vector<16xf32>
      %min3A_142 = arith.minimumf %max3A_120, %min3A_140 : vector<16xf32>
      %max3A_143 = arith.maximumf %max3A_122, %min3A_142 : vector<16xf32>
      %min3A_144 = arith.minimumf %max3A_122, %min3A_142 : vector<16xf32>
      %max3A_145 = arith.maximumf %max3A_124, %min3A_144 : vector<16xf32>
      %min3A_146 = arith.minimumf %max3A_124, %min3A_144 : vector<16xf32>
      %max3A_147 = arith.maximumf %max3A_126, %min3A_146 : vector<16xf32>
      %min3A_148 = arith.minimumf %max3A_126, %min3A_146 : vector<16xf32>
      %get3A_149 = arith.constant 6 : i32
      %get3A_150 = arith.index_cast %get3A_149 : i32 to index
      %get3A_151 = arith.index_cast %mul3A_10 : i32 to index
      %get3A_152 = tpu.vector_load %arg4[%get3A_150, %get3A_151] {strides = array<i32>} : memref<64x256xf32, #tpu.memory_space<vmem>>, vector<1x16xf32>,
      %get3A_153 = vector.shape_cast %get3A_152 : vector<1x16xf32> to vector<16xf32>
      %max3A_154 = arith.maximumf %max3A_133, %get3A_153 : vector<16xf32>
      %min3A_155 = arith.minimumf %max3A_133, %get3A_153 : vector<16xf32>
      %max3A_156 = arith.maximumf %max3A_135, %min3A_155 : vector<16xf32>
      %min3A_157 = arith.minimumf %max3A_135, %min3A_155 : vector<16xf32>
      %max3A_158 = arith.maximumf %max3A_137, %min3A_157 : vector<16xf32>
      %min3A_159 = arith.minimumf %max3A_137, %min3A_157 : vector<16xf32>
      %max3A_160 = arith.maximumf %max3A_139, %min3A_159 : vector<16xf32>
      %min3A_161 = arith.minimumf %max3A_139, %min3A_159 : vector<16xf32>
      %max3A_162 = arith.maximumf %max3A_141, %min3A_161 : vector<16xf32>
      %min3A_163 = arith.minimumf %max3A_141, %min3A_161 : vector<16xf32>
      %max3A_164 = arith.maximumf %max3A_143, %min3A_163 : vector<16xf32>
      %min3A_165 = arith.minimumf %max3A_143, %min3A_163 : vector<16xf32>
      %max3A_166 = arith.maximumf %max3A_145, %min3A_165 : vector<16xf32>
      %min3A_167 = arith.minimumf %max3A_145, %min3A_165 : vector<16xf32>
      %max3A_168 = arith.maximumf %max3A_147, %min3A_167 : vector<16xf32>
      %min3A_169 = arith.minimumf %max3A_147, %min3A_167 : vector<16xf32>
      %get3A_170 = arith.constant 7 : i32
      %get3A_171 = arith.index_cast %get3A_170 : i32 to index
      %get3A_172 = arith.index_cast %mul3A_10 : i32 to index
      %get3A_173 = tpu.vector_load %arg4[%get3A_171, %get3A_172] {strides = array<i32>} : memref<64x256xf32, #tpu.memory_space<vmem>>, vector<1x16xf32>,
      %get3A_174 = vector.shape_cast %get3A_173 : vector<1x16xf32> to vector<16xf32>
      %max3A_175 = arith.maximumf %max3A_154, %get3A_174 : vector<16xf32>
      %min3A_176 = arith.minimumf %max3A_154, %get3A_174 : vector<16xf32>
      %max3A_177 = arith.maximumf %max3A_156, %min3A_176 : vector<16xf32>
      %min3A_178 = arith.minimumf %max3A_156, %min3A_176 : vector<16xf32>
      %max3A_179 = arith.maximumf %max3A_158, %min3A_178 : vector<16xf32>
      %min3A_180 = arith.minimumf %max3A_158, %min3A_178 : vector<16xf32>
      %max3A_181 = arith.maximumf %max3A_160, %min3A_180 : vector<16xf32>
      %min3A_182 = arith.minimumf %max3A_160, %min3A_180 : vector<16xf32>
      %max3A_183 = arith.maximumf %max3A_162, %min3A_182 : vector<16xf32>
      %min3A_184 = arith.minimumf %max3A_162, %min3A_182 : vector<16xf32>
      %max3A_185 = arith.maximumf %max3A_164, %min3A_184 : vector<16xf32>
      %min3A_186 = arith.minimumf %max3A_164, %min3A_184 : vector<16xf32>
      %max3A_187 = arith.maximumf %max3A_166, %min3A_186 : vector<16xf32>
      %min3A_188 = arith.minimumf %max3A_166, %min3A_186 : vector<16xf32>
      %max3A_189 = arith.maximumf %max3A_168, %min3A_188 : vector<16xf32>
      %min3A_190 = arith.minimumf %max3A_168, %min3A_188 : vector<16xf32>
      %get3A_191 = arith.constant 8 : i32
      %get3A_192 = arith.index_cast %get3A_191 : i32 to index
      %get3A_193 = arith.index_cast %mul3A_10 : i32 to index
      %get3A_194 = tpu.vector_load %arg4[%get3A_192, %get3A_193] {strides = array<i32>} : memref<64x256xf32, #tpu.memory_space<vmem>>, vector<1x16xf32>,
      %get3A_195 = vector.shape_cast %get3A_194 : vector<1x16xf32> to vector<16xf32>
      %max3A_196 = arith.maximumf %max3A_175, %get3A_195 : vector<16xf32>
      %min3A_197 = arith.minimumf %max3A_175, %get3A_195 : vector<16xf32>
      %max3A_198 = arith.maximumf %max3A_177, %min3A_197 : vector<16xf32>
      %min3A_199 = arith.minimumf %max3A_177, %min3A_197 : vector<16xf32>
      %max3A_200 = arith.maximumf %max3A_179, %min3A_199 : vector<16xf32>
      %min3A_201 = arith.minimumf %max3A_179, %min3A_199 : vector<16xf32>
      %max3A_202 = arith.maximumf %max3A_181, %min3A_201 : vector<16xf32>
      %min3A_203 = arith.minimumf %max3A_181, %min3A_201 : vector<16xf32>
      %max3A_204 = arith.maximumf %max3A_183, %min3A_203 : vector<16xf32>
      %min3A_205 = arith.minimumf %max3A_183, %min3A_203 : vector<16xf32>
      %max3A_206 = arith.maximumf %max3A_185, %min3A_205 : vector<16xf32>
      %min3A_207 = arith.minimumf %max3A_185, %min3A_205 : vector<16xf32>
      %max3A_208 = arith.maximumf %max3A_187, %min3A_207 : vector<16xf32>
      %min3A_209 = arith.minimumf %max3A_187, %min3A_207 : vector<16xf32>
      %max3A_210 = arith.maximumf %max3A_189, %min3A_209 : vector<16xf32>
      %min3A_211 = arith.minimumf %max3A_189, %min3A_209 : vector<16xf32>
      %get3A_212 = arith.constant 9 : i32
      %get3A_213 = arith.index_cast %get3A_212 : i32 to index
      %get3A_214 = arith.index_cast %mul3A_10 : i32 to index
      %get3A_215 = tpu.vector_load %arg4[%get3A_213, %get3A_214] {strides = array<i32>} : memref<64x256xf32, #tpu.memory_space<vmem>>, vector<1x16xf32>,
      %get3A_216 = vector.shape_cast %get3A_215 : vector<1x16xf32> to vector<16xf32>
      %max3A_217 = arith.maximumf %max3A_196, %get3A_216 : vector<16xf32>
      %min3A_218 = arith.minimumf %max3A_196, %get3A_216 : vector<16xf32>
      %max3A_219 = arith.maximumf %max3A_198, %min3A_218 : vector<16xf32>
      %min3A_220 = arith.minimumf %max3A_198, %min3A_218 : vector<16xf32>
      %max3A_221 = arith.maximumf %max3A_200, %min3A_220 : vector<16xf32>
      %min3A_222 = arith.minimumf %max3A_200, %min3A_220 : vector<16xf32>
      %max3A_223 = arith.maximumf %max3A_202, %min3A_222 : vector<16xf32>
      %min3A_224 = arith.minimumf %max3A_202, %min3A_222 : vector<16xf32>
      %max3A_225 = arith.maximumf %max3A_204, %min3A_224 : vector<16xf32>
      %min3A_226 = arith.minimumf %max3A_204, %min3A_224 : vector<16xf32>
      %max3A_227 = arith.maximumf %max3A_206, %min3A_226 : vector<16xf32>
      %min3A_228 = arith.minimumf %max3A_206, %min3A_226 : vector<16xf32>
      %max3A_229 = arith.maximumf %max3A_208, %min3A_228 : vector<16xf32>
      %min3A_230 = arith.minimumf %max3A_208, %min3A_228 : vector<16xf32>
      %max3A_231 = arith.maximumf %max3A_210, %min3A_230 : vector<16xf32>
      %min3A_232 = arith.minimumf %max3A_210, %min3A_230 : vector<16xf32>
      %get3A_233 = arith.constant 10 : i32
      %get3A_234 = arith.index_cast %get3A_233 : i32 to index
      %get3A_235 = arith.index_cast %mul3A_10 : i32 to index
      %get3A_236 = tpu.vector_load %arg4[%get3A_234, %get3A_235] {strides = array<i32>} : memref<64x256xf32, #tpu.memory_space<vmem>>, vector<1x16xf32>,
      %get3A_237 = vector.shape_cast %get3A_236 : vector<1x16xf32> to vector<16xf32>
      %max3A_238 = arith.maximumf %max3A_217, %get3A_237 : vector<16xf32>
      %min3A_239 = arith.minimumf %max3A_217, %get3A_237 : vector<16xf32>
      %max3A_240 = arith.maximumf %max3A_219, %min3A_239 : vector<16xf32>
      %min3A_241 = arith.minimumf %max3A_219, %min3A_239 : vector<16xf32>
      %max3A_242 = arith.maximumf %max3A_221, %min3A_241 : vector<16xf32>
      %min3A_243 = arith.minimumf %max3A_221, %min3A_241 : vector<16xf32>
      %max3A_244 = arith.maximumf %max3A_223, %min3A_243 : vector<16xf32>
      %min3A_245 = arith.minimumf %max3A_223, %min3A_243 : vector<16xf32>
      %max3A_246 = arith.maximumf %max3A_225, %min3A_245 : vector<16xf32>
      %min3A_247 = arith.minimumf %max3A_225, %min3A_245 : vector<16xf32>
      %max3A_248 = arith.maximumf %max3A_227, %min3A_247 : vector<16xf32>
      %min3A_249 = arith.minimumf %max3A_227, %min3A_247 : vector<16xf32>
      %max3A_250 = arith.maximumf %max3A_229, %min3A_249 : vector<16xf32>
      %min3A_251 = arith.minimumf %max3A_229, %min3A_249 : vector<16xf32>
      %max3A_252 = arith.maximumf %max3A_231, %min3A_251 : vector<16xf32>
      %min3A_253 = arith.minimumf %max3A_231, %min3A_251 : vector<16xf32>
      %get3A_254 = arith.constant 11 : i32
      %get3A_255 = arith.index_cast %get3A_254 : i32 to index
      %get3A_256 = arith.index_cast %mul3A_10 : i32 to index
      %get3A_257 = tpu.vector_load %arg4[%get3A_255, %get3A_256] {strides = array<i32>} : memref<64x256xf32, #tpu.memory_space<vmem>>, vector<1x16xf32>,
      %get3A_258 = vector.shape_cast %get3A_257 : vector<1x16xf32> to vector<16xf32>
      %max3A_259 = arith.maximumf %max3A_238, %get3A_258 : vector<16xf32>
      %min3A_260 = arith.minimumf %max3A_238, %get3A_258 : vector<16xf32>
      %max3A_261 = arith.maximumf %max3A_240, %min3A_260 : vector<16xf32>
      %min3A_262 = arith.minimumf %max3A_240, %min3A_260 : vector<16xf32>
      %max3A_263 = arith.maximumf %max3A_242, %min3A_262 : vector<16xf32>
      %min3A_264 = arith.minimumf %max3A_242, %min3A_262 : vector<16xf32>
      %max3A_265 = arith.maximumf %max3A_244, %min3A_264 : vector<16xf32>
      %min3A_266 = arith.minimumf %max3A_244, %min3A_264 : vector<16xf32>
      %max3A_267 = arith.maximumf %max3A_246, %min3A_266 : vector<16xf32>
      %min3A_268 = arith.minimumf %max3A_246, %min3A_266 : vector<16xf32>
      %max3A_269 = arith.maximumf %max3A_248, %min3A_268 : vector<16xf32>
      %min3A_270 = arith.minimumf %max3A_248, %min3A_268 : vector<16xf32>
      %max3A_271 = arith.maximumf %max3A_250, %min3A_270 : vector<16xf32>
      %min3A_272 = arith.minimumf %max3A_250, %min3A_270 : vector<16xf32>
      %max3A_273 = arith.maximumf %max3A_252, %min3A_272 : vector<16xf32>
      %min3A_274 = arith.minimumf %max3A_252, %min3A_272 : vector<16xf32>
      %get3A_275 = arith.constant 12 : i32
      %get3A_276 = arith.index_cast %get3A_275 : i32 to index
      %get3A_277 = arith.index_cast %mul3A_10 : i32 to index
      %get3A_278 = tpu.vector_load %arg4[%get3A_276, %get3A_277] {strides = array<i32>} : memref<64x256xf32, #tpu.memory_space<vmem>>, vector<1x16xf32>,
      %get3A_279 = vector.shape_cast %get3A_278 : vector<1x16xf32> to vector<16xf32>
      %max3A_280 = arith.maximumf %max3A_259, %get3A_279 : vector<16xf32>
      %min3A_281 = arith.minimumf %max3A_259, %get3A_279 : vector<16xf32>
      %max3A_282 = arith.maximumf %max3A_261, %min3A_281 : vector<16xf32>
      %min3A_283 = arith.minimumf %max3A_261, %min3A_281 : vector<16xf32>
      %max3A_284 = arith.maximumf %max3A_263, %min3A_283 : vector<16xf32>
      %min3A_285 = arith.minimumf %max3A_263, %min3A_283 : vector<16xf32>
      %max3A_286 = arith.maximumf %max3A_265, %min3A_285 : vector<16xf32>
      %min3A_287 = arith.minimumf %max3A_265, %min3A_285 : vector<16xf32>
      %max3A_288 = arith.maximumf %max3A_267, %min3A_287 : vector<16xf32>
      %min3A_289 = arith.minimumf %max3A_267, %min3A_287 : vector<16xf32>
      %max3A_290 = arith.maximumf %max3A_269, %min3A_289 : vector<16xf32>
      %min3A_291 = arith.minimumf %max3A_269, %min3A_289 : vector<16xf32>
      %max3A_292 = arith.maximumf %max3A_271, %min3A_291 : vector<16xf32>
      %min3A_293 = arith.minimumf %max3A_271, %min3A_291 : vector<16xf32>
      %max3A_294 = arith.maximumf %max3A_273, %min3A_293 : vector<16xf32>
      %min3A_295 = arith.minimumf %max3A_273, %min3A_293 : vector<16xf32>
      %get3A_296 = arith.constant 13 : i32
      %get3A_297 = arith.index_cast %get3A_296 : i32 to index
      %get3A_298 = arith.index_cast %mul3A_10 : i32 to index
      %get3A_299 = tpu.vector_load %arg4[%get3A_297, %get3A_298] {strides = array<i32>} : memref<64x256xf32, #tpu.memory_space<vmem>>, vector<1x16xf32>,
      %get3A_300 = vector.shape_cast %get3A_299 : vector<1x16xf32> to vector<16xf32>
      %max3A_301 = arith.maximumf %max3A_280, %get3A_300 : vector<16xf32>
      %min3A_302 = arith.minimumf %max3A_280, %get3A_300 : vector<16xf32>
      %max3A_303 = arith.maximumf %max3A_282, %min3A_302 : vector<16xf32>
      %min3A_304 = arith.minimumf %max3A_282, %min3A_302 : vector<16xf32>
      %max3A_305 = arith.maximumf %max3A_284, %min3A_304 : vector<16xf32>
      %min3A_306 = arith.minimumf %max3A_284, %min3A_304 : vector<16xf32>
      %max3A_307 = arith.maximumf %max3A_286, %min3A_306 : vector<16xf32>
      %min3A_308 = arith.minimumf %max3A_286, %min3A_306 : vector<16xf32>
      %max3A_309 = arith.maximumf %max3A_288, %min3A_308 : vector<16xf32>
      %min3A_310 = arith.minimumf %max3A_288, %min3A_308 : vector<16xf32>
      %max3A_311 = arith.maximumf %max3A_290, %min3A_310 : vector<16xf32>
      %min3A_312 = arith.minimumf %max3A_290, %min3A_310 : vector<16xf32>
      %max3A_313 = arith.maximumf %max3A_292, %min3A_312 : vector<16xf32>
      %min3A_314 = arith.minimumf %max3A_292, %min3A_312 : vector<16xf32>
      %max3A_315 = arith.maximumf %max3A_294, %min3A_314 : vector<16xf32>
      %min3A_316 = arith.minimumf %max3A_294, %min3A_314 : vector<16xf32>
      %get3A_317 = arith.constant 14 : i32
      %get3A_318 = arith.index_cast %get3A_317 : i32 to index
      %get3A_319 = arith.index_cast %mul3A_10 : i32 to index
      %get3A_320 = tpu.vector_load %arg4[%get3A_318, %get3A_319] {strides = array<i32>} : memref<64x256xf32, #tpu.memory_space<vmem>>, vector<1x16xf32>,
      %get3A_321 = vector.shape_cast %get3A_320 : vector<1x16xf32> to vector<16xf32>
      %max3A_322 = arith.maximumf %max3A_301, %get3A_321 : vector<16xf32>
      %min3A_323 = arith.minimumf %max3A_301, %get3A_321 : vector<16xf32>
      %max3A_324 = arith.maximumf %max3A_303, %min3A_323 : vector<16xf32>
      %min3A_325 = arith.minimumf %max3A_303, %min3A_323 : vector<16xf32>
      %max3A_326 = arith.maximumf %max3A_305, %min3A_325 : vector<16xf32>
      %min3A_327 = arith.minimumf %max3A_305, %min3A_325 : vector<16xf32>
      %max3A_328 = arith.maximumf %max3A_307, %min3A_327 : vector<16xf32>
      %min3A_329 = arith.minimumf %max3A_307, %min3A_327 : vector<16xf32>
      %max3A_330 = arith.maximumf %max3A_309, %min3A_329 : vector<16xf32>
      %min3A_331 = arith.minimumf %max3A_309, %min3A_329 : vector<16xf32>
      %max3A_332 = arith.maximumf %max3A_311, %min3A_331 : vector<16xf32>
      %min3A_333 = arith.minimumf %max3A_311, %min3A_331 : vector<16xf32>
      %max3A_334 = arith.maximumf %max3A_313, %min3A_333 : vector<16xf32>
      %min3A_335 = arith.minimumf %max3A_313, %min3A_333 : vector<16xf32>
      %max3A_336 = arith.maximumf %max3A_315, %min3A_335 : vector<16xf32>
      %min3A_337 = arith.minimumf %max3A_315, %min3A_335 : vector<16xf32>
      %get3A_338 = arith.constant 15 : i32
      %get3A_339 = arith.index_cast %get3A_338 : i32 to index
      %get3A_340 = arith.index_cast %mul3A_10 : i32 to index
      %get3A_341 = tpu.vector_load %arg4[%get3A_339, %get3A_340] {strides = array<i32>} : memref<64x256xf32, #tpu.memory_space<vmem>>, vector<1x16xf32>,
      %get3A_342 = vector.shape_cast %get3A_341 : vector<1x16xf32> to vector<16xf32>
      %max3A_343 = arith.maximumf %max3A_322, %get3A_342 : vector<16xf32>
      %min3A_344 = arith.minimumf %max3A_322, %get3A_342 : vector<16xf32>
      %max3A_345 = arith.maximumf %max3A_324, %min3A_344 : vector<16xf32>
      %min3A_346 = arith.minimumf %max3A_324, %min3A_344 : vector<16xf32>
      %max3A_347 = arith.maximumf %max3A_326, %min3A_346 : vector<16xf32>
      %min3A_348 = arith.minimumf %max3A_326, %min3A_346 : vector<16xf32>
      %max3A_349 = arith.maximumf %max3A_328, %min3A_348 : vector<16xf32>
      %min3A_350 = arith.minimumf %max3A_328, %min3A_348 : vector<16xf32>
      %max3A_351 = arith.maximumf %max3A_330, %min3A_350 : vector<16xf32>
      %min3A_352 = arith.minimumf %max3A_330, %min3A_350 : vector<16xf32>
      %max3A_353 = arith.maximumf %max3A_332, %min3A_352 : vector<16xf32>
      %min3A_354 = arith.minimumf %max3A_332, %min3A_352 : vector<16xf32>
      %max3A_355 = arith.maximumf %max3A_334, %min3A_354 : vector<16xf32>
      %min3A_356 = arith.minimumf %max3A_334, %min3A_354 : vector<16xf32>
      %max3A_357 = arith.maximumf %max3A_336, %min3A_356 : vector<16xf32>
      %min3A_358 = arith.minimumf %max3A_336, %min3A_356 : vector<16xf32>
      %get3A_359 = arith.constant 16 : i32
      %get3A_360 = arith.index_cast %get3A_359 : i32 to index
      %get3A_361 = arith.index_cast %mul3A_10 : i32 to index
      %get3A_362 = tpu.vector_load %arg4[%get3A_360, %get3A_361] {strides = array<i32>} : memref<64x256xf32, #tpu.memory_space<vmem>>, vector<1x16xf32>,
      %get3A_363 = vector.shape_cast %get3A_362 : vector<1x16xf32> to vector<16xf32>
      %max3A_364 = arith.maximumf %max3A_343, %get3A_363 : vector<16xf32>
      %min3A_365 = arith.minimumf %max3A_343, %get3A_363 : vector<16xf32>
      %max3A_366 = arith.maximumf %max3A_345, %min3A_365 : vector<16xf32>
      %min3A_367 = arith.minimumf %max3A_345, %min3A_365 : vector<16xf32>
      %max3A_368 = arith.maximumf %max3A_347, %min3A_367 : vector<16xf32>
      %min3A_369 = arith.minimumf %max3A_347, %min3A_367 : vector<16xf32>
      %max3A_370 = arith.maximumf %max3A_349, %min3A_369 : vector<16xf32>
      %min3A_371 = arith.minimumf %max3A_349, %min3A_369 : vector<16xf32>
      %max3A_372 = arith.maximumf %max3A_351, %min3A_371 : vector<16xf32>
      %min3A_373 = arith.minimumf %max3A_351, %min3A_371 : vector<16xf32>
      %max3A_374 = arith.maximumf %max3A_353, %min3A_373 : vector<16xf32>
      %min3A_375 = arith.minimumf %max3A_353, %min3A_373 : vector<16xf32>
      %max3A_376 = arith.maximumf %max3A_355, %min3A_375 : vector<16xf32>
      %min3A_377 = arith.minimumf %max3A_355, %min3A_375 : vector<16xf32>
      %max3A_378 = arith.maximumf %max3A_357, %min3A_377 : vector<16xf32>
      %min3A_379 = arith.minimumf %max3A_357, %min3A_377 : vector<16xf32>
      %get3A_380 = arith.constant 17 : i32
      %get3A_381 = arith.index_cast %get3A_380 : i32 to index
      %get3A_382 = arith.index_cast %mul3A_10 : i32 to index
      %get3A_383 = tpu.vector_load %arg4[%get3A_381, %get3A_382] {strides = array<i32>} : memref<64x256xf32, #tpu.memory_space<vmem>>, vector<1x16xf32>,
      %get3A_384 = vector.shape_cast %get3A_383 : vector<1x16xf32> to vector<16xf32>
      %max3A_385 = arith.maximumf %max3A_364, %get3A_384 : vector<16xf32>
      %min3A_386 = arith.minimumf %max3A_364, %get3A_384 : vector<16xf32>
      %max3A_387 = arith.maximumf %max3A_366, %min3A_386 : vector<16xf32>
      %min3A_388 = arith.minimumf %max3A_366, %min3A_386 : vector<16xf32>
      %max3A_389 = arith.maximumf %max3A_368, %min3A_388 : vector<16xf32>
      %min3A_390 = arith.minimumf %max3A_368, %min3A_388 : vector<16xf32>
      %max3A_391 = arith.maximumf %max3A_370, %min3A_390 : vector<16xf32>
      %min3A_392 = arith.minimumf %max3A_370, %min3A_390 : vector<16xf32>
      %max3A_393 = arith.maximumf %max3A_372, %min3A_392 : vector<16xf32>
      %min3A_394 = arith.minimumf %max3A_372, %min3A_392 : vector<16xf32>
      %max3A_395 = arith.maximumf %max3A_374, %min3A_394 : vector<16xf32>
      %min3A_396 = arith.minimumf %max3A_374, %min3A_394 : vector<16xf32>
      %max3A_397 = arith.maximumf %max3A_376, %min3A_396 : vector<16xf32>
      %min3A_398 = arith.minimumf %max3A_376, %min3A_396 : vector<16xf32>
      %max3A_399 = arith.maximumf %max3A_378, %min3A_398 : vector<16xf32>
      %min3A_400 = arith.minimumf %max3A_378, %min3A_398 : vector<16xf32>
      %get3A_401 = arith.constant 18 : i32
      %get3A_402 = arith.index_cast %get3A_401 : i32 to index
      %get3A_403 = arith.index_cast %mul3A_10 : i32 to index
      %get3A_404 = tpu.vector_load %arg4[%get3A_402, %get3A_403] {strides = array<i32>} : memref<64x256xf32, #tpu.memory_space<vmem>>, vector<1x16xf32>,
      %get3A_405 = vector.shape_cast %get3A_404 : vector<1x16xf32> to vector<16xf32>
      %max3A_406 = arith.maximumf %max3A_385, %get3A_405 : vector<16xf32>
      %min3A_407 = arith.minimumf %max3A_385, %get3A_405 : vector<16xf32>
      %max3A_408 = arith.maximumf %max3A_387, %min3A_407 : vector<16xf32>
      %min3A_409 = arith.minimumf %max3A_387, %min3A_407 : vector<16xf32>
      %max3A_410 = arith.maximumf %max3A_389, %min3A_409 : vector<16xf32>
      %min3A_411 = arith.minimumf %max3A_389, %min3A_409 : vector<16xf32>
      %max3A_412 = arith.maximumf %max3A_391, %min3A_411 : vector<16xf32>
      %min3A_413 = arith.minimumf %max3A_391, %min3A_411 : vector<16xf32>
      %max3A_414 = arith.maximumf %max3A_393, %min3A_413 : vector<16xf32>
      %min3A_415 = arith.minimumf %max3A_393, %min3A_413 : vector<16xf32>
      %max3A_416 = arith.maximumf %max3A_395, %min3A_415 : vector<16xf32>
      %min3A_417 = arith.minimumf %max3A_395, %min3A_415 : vector<16xf32>
      %max3A_418 = arith.maximumf %max3A_397, %min3A_417 : vector<16xf32>
      %min3A_419 = arith.minimumf %max3A_397, %min3A_417 : vector<16xf32>
      %max3A_420 = arith.maximumf %max3A_399, %min3A_419 : vector<16xf32>
      %min3A_421 = arith.minimumf %max3A_399, %min3A_419 : vector<16xf32>
      %get3A_422 = arith.constant 19 : i32
      %get3A_423 = arith.index_cast %get3A_422 : i32 to index
      %get3A_424 = arith.index_cast %mul3A_10 : i32 to index
      %get3A_425 = tpu.vector_load %arg4[%get3A_423, %get3A_424] {strides = array<i32>} : memref<64x256xf32, #tpu.memory_space<vmem>>, vector<1x16xf32>,
      %get3A_426 = vector.shape_cast %get3A_425 : vector<1x16xf32> to vector<16xf32>
      %max3A_427 = arith.maximumf %max3A_406, %get3A_426 : vector<16xf32>
      %min3A_428 = arith.minimumf %max3A_406, %get3A_426 : vector<16xf32>
      %max3A_429 = arith.maximumf %max3A_408, %min3A_428 : vector<16xf32>
      %min3A_430 = arith.minimumf %max3A_408, %min3A_428 : vector<16xf32>
      %max3A_431 = arith.maximumf %max3A_410, %min3A_430 : vector<16xf32>
      %min3A_432 = arith.minimumf %max3A_410, %min3A_430 : vector<16xf32>
      %max3A_433 = arith.maximumf %max3A_412, %min3A_432 : vector<16xf32>
      %min3A_434 = arith.minimumf %max3A_412, %min3A_432 : vector<16xf32>
      %max3A_435 = arith.maximumf %max3A_414, %min3A_434 : vector<16xf32>
      %min3A_436 = arith.minimumf %max3A_414, %min3A_434 : vector<16xf32>
      %max3A_437 = arith.maximumf %max3A_416, %min3A_436 : vector<16xf32>
      %min3A_438 = arith.minimumf %max3A_416, %min3A_436 : vector<16xf32>
      %max3A_439 = arith.maximumf %max3A_418, %min3A_438 : vector<16xf32>
      %min3A_440 = arith.minimumf %max3A_418, %min3A_438 : vector<16xf32>
      %max3A_441 = arith.maximumf %max3A_420, %min3A_440 : vector<16xf32>
      %min3A_442 = arith.minimumf %max3A_420, %min3A_440 : vector<16xf32>
      %get3A_443 = arith.constant 20 : i32
      %get3A_444 = arith.index_cast %get3A_443 : i32 to index
      %get3A_445 = arith.index_cast %mul3A_10 : i32 to index
      %get3A_446 = tpu.vector_load %arg4[%get3A_444, %get3A_445] {strides = array<i32>} : memref<64x256xf32, #tpu.memory_space<vmem>>, vector<1x16xf32>,
      %get3A_447 = vector.shape_cast %get3A_446 : vector<1x16xf32> to vector<16xf32>
      %max3A_448 = arith.maximumf %max3A_427, %get3A_447 : vector<16xf32>
      %min3A_449 = arith.minimumf %max3A_427, %get3A_447 : vector<16xf32>
      %max3A_450 = arith.maximumf %max3A_429, %min3A_449 : vector<16xf32>
      %min3A_451 = arith.minimumf %max3A_429, %min3A_449 : vector<16xf32>
      %max3A_452 = arith.maximumf %max3A_431, %min3A_451 : vector<16xf32>
      %min3A_453 = arith.minimumf %max3A_431, %min3A_451 : vector<16xf32>
      %max3A_454 = arith.maximumf %max3A_433, %min3A_453 : vector<16xf32>
      %min3A_455 = arith.minimumf %max3A_433, %min3A_453 : vector<16xf32>
      %max3A_456 = arith.maximumf %max3A_435, %min3A_455 : vector<16xf32>
      %min3A_457 = arith.minimumf %max3A_435, %min3A_455 : vector<16xf32>
      %max3A_458 = arith.maximumf %max3A_437, %min3A_457 : vector<16xf32>
      %min3A_459 = arith.minimumf %max3A_437, %min3A_457 : vector<16xf32>
      %max3A_460 = arith.maximumf %max3A_439, %min3A_459 : vector<16xf32>
      %min3A_461 = arith.minimumf %max3A_439, %min3A_459 : vector<16xf32>
      %max3A_462 = arith.maximumf %max3A_441, %min3A_461 : vector<16xf32>
      %min3A_463 = arith.minimumf %max3A_441, %min3A_461 : vector<16xf32>
      %get3A_464 = arith.constant 21 : i32
      %get3A_465 = arith.index_cast %get3A_464 : i32 to index
      %get3A_466 = arith.index_cast %mul3A_10 : i32 to index
      %get3A_467 = tpu.vector_load %arg4[%get3A_465, %get3A_466] {strides = array<i32>} : memref<64x256xf32, #tpu.memory_space<vmem>>, vector<1x16xf32>,
      %get3A_468 = vector.shape_cast %get3A_467 : vector<1x16xf32> to vector<16xf32>
      %max3A_469 = arith.maximumf %max3A_448, %get3A_468 : vector<16xf32>
      %min3A_470 = arith.minimumf %max3A_448, %get3A_468 : vector<16xf32>
      %max3A_471 = arith.maximumf %max3A_450, %min3A_470 : vector<16xf32>
      %min3A_472 = arith.minimumf %max3A_450, %min3A_470 : vector<16xf32>
      %max3A_473 = arith.maximumf %max3A_452, %min3A_472 : vector<16xf32>
      %min3A_474 = arith.minimumf %max3A_452, %min3A_472 : vector<16xf32>
      %max3A_475 = arith.maximumf %max3A_454, %min3A_474 : vector<16xf32>
      %min3A_476 = arith.minimumf %max3A_454, %min3A_474 : vector<16xf32>
      %max3A_477 = arith.maximumf %max3A_456, %min3A_476 : vector<16xf32>
      %min3A_478 = arith.minimumf %max3A_456, %min3A_476 : vector<16xf32>
      %max3A_479 = arith.maximumf %max3A_458, %min3A_478 : vector<16xf32>
      %min3A_480 = arith.minimumf %max3A_458, %min3A_478 : vector<16xf32>
      %max3A_481 = arith.maximumf %max3A_460, %min3A_480 : vector<16xf32>
      %min3A_482 = arith.minimumf %max3A_460, %min3A_480 : vector<16xf32>
      %max3A_483 = arith.maximumf %max3A_462, %min3A_482 : vector<16xf32>
      %min3A_484 = arith.minimumf %max3A_462, %min3A_482 : vector<16xf32>
      %get3A_485 = arith.constant 22 : i32
      %get3A_486 = arith.index_cast %get3A_485 : i32 to index
      %get3A_487 = arith.index_cast %mul3A_10 : i32 to index
      %get3A_488 = tpu.vector_load %arg4[%get3A_486, %get3A_487] {strides = array<i32>} : memref<64x256xf32, #tpu.memory_space<vmem>>, vector<1x16xf32>,
      %get3A_489 = vector.shape_cast %get3A_488 : vector<1x16xf32> to vector<16xf32>
      %max3A_490 = arith.maximumf %max3A_469, %get3A_489 : vector<16xf32>
      %min3A_491 = arith.minimumf %max3A_469, %get3A_489 : vector<16xf32>
      %max3A_492 = arith.maximumf %max3A_471, %min3A_491 : vector<16xf32>
      %min3A_493 = arith.minimumf %max3A_471, %min3A_491 : vector<16xf32>
      %max3A_494 = arith.maximumf %max3A_473, %min3A_493 : vector<16xf32>
      %min3A_495 = arith.minimumf %max3A_473, %min3A_493 : vector<16xf32>
      %max3A_496 = arith.maximumf %max3A_475, %min3A_495 : vector<16xf32>
      %min3A_497 = arith.minimumf %max3A_475, %min3A_495 : vector<16xf32>
      %max3A_498 = arith.maximumf %max3A_477, %min3A_497 : vector<16xf32>
      %min3A_499 = arith.minimumf %max3A_477, %min3A_497 : vector<16xf32>
      %max3A_500 = arith.maximumf %max3A_479, %min3A_499 : vector<16xf32>
      %min3A_501 = arith.minimumf %max3A_479, %min3A_499 : vector<16xf32>
      %max3A_502 = arith.maximumf %max3A_481, %min3A_501 : vector<16xf32>
      %min3A_503 = arith.minimumf %max3A_481, %min3A_501 : vector<16xf32>
      %max3A_504 = arith.maximumf %max3A_483, %min3A_503 : vector<16xf32>
      %min3A_505 = arith.minimumf %max3A_483, %min3A_503 : vector<16xf32>
      %get3A_506 = arith.constant 23 : i32
      %get3A_507 = arith.index_cast %get3A_506 : i32 to index
      %get3A_508 = arith.index_cast %mul3A_10 : i32 to index
      %get3A_509 = tpu.vector_load %arg4[%get3A_507, %get3A_508] {strides = array<i32>} : memref<64x256xf32, #tpu.memory_space<vmem>>, vector<1x16xf32>,
      %get3A_510 = vector.shape_cast %get3A_509 : vector<1x16xf32> to vector<16xf32>
      %max3A_511 = arith.maximumf %max3A_490, %get3A_510 : vector<16xf32>
      %min3A_512 = arith.minimumf %max3A_490, %get3A_510 : vector<16xf32>
      %max3A_513 = arith.maximumf %max3A_492, %min3A_512 : vector<16xf32>
      %min3A_514 = arith.minimumf %max3A_492, %min3A_512 : vector<16xf32>
      %max3A_515 = arith.maximumf %max3A_494, %min3A_514 : vector<16xf32>
      %min3A_516 = arith.minimumf %max3A_494, %min3A_514 : vector<16xf32>
      %max3A_517 = arith.maximumf %max3A_496, %min3A_516 : vector<16xf32>
      %min3A_518 = arith.minimumf %max3A_496, %min3A_516 : vector<16xf32>
      %max3A_519 = arith.maximumf %max3A_498, %min3A_518 : vector<16xf32>
      %min3A_520 = arith.minimumf %max3A_498, %min3A_518 : vector<16xf32>
      %max3A_521 = arith.maximumf %max3A_500, %min3A_520 : vector<16xf32>
      %min3A_522 = arith.minimumf %max3A_500, %min3A_520 : vector<16xf32>
      %max3A_523 = arith.maximumf %max3A_502, %min3A_522 : vector<16xf32>
      %min3A_524 = arith.minimumf %max3A_502, %min3A_522 : vector<16xf32>
      %max3A_525 = arith.maximumf %max3A_504, %min3A_524 : vector<16xf32>
      %min3A_526 = arith.minimumf %max3A_504, %min3A_524 : vector<16xf32>
      %get3A_527 = arith.constant 24 : i32
      %get3A_528 = arith.index_cast %get3A_527 : i32 to index
      %get3A_529 = arith.index_cast %mul3A_10 : i32 to index
      %get3A_530 = tpu.vector_load %arg4[%get3A_528, %get3A_529] {strides = array<i32>} : memref<64x256xf32, #tpu.memory_space<vmem>>, vector<1x16xf32>,
      %get3A_531 = vector.shape_cast %get3A_530 : vector<1x16xf32> to vector<16xf32>
      %max3A_532 = arith.maximumf %max3A_511, %get3A_531 : vector<16xf32>
      %min3A_533 = arith.minimumf %max3A_511, %get3A_531 : vector<16xf32>
      %max3A_534 = arith.maximumf %max3A_513, %min3A_533 : vector<16xf32>
      %min3A_535 = arith.minimumf %max3A_513, %min3A_533 : vector<16xf32>
      %max3A_536 = arith.maximumf %max3A_515, %min3A_535 : vector<16xf32>
      %min3A_537 = arith.minimumf %max3A_515, %min3A_535 : vector<16xf32>
      %max3A_538 = arith.maximumf %max3A_517, %min3A_537 : vector<16xf32>
      %min3A_539 = arith.minimumf %max3A_517, %min3A_537 : vector<16xf32>
      %max3A_540 = arith.maximumf %max3A_519, %min3A_539 : vector<16xf32>
      %min3A_541 = arith.minimumf %max3A_519, %min3A_539 : vector<16xf32>
      %max3A_542 = arith.maximumf %max3A_521, %min3A_541 : vector<16xf32>
      %min3A_543 = arith.minimumf %max3A_521, %min3A_541 : vector<16xf32>
      %max3A_544 = arith.maximumf %max3A_523, %min3A_543 : vector<16xf32>
      %min3A_545 = arith.minimumf %max3A_523, %min3A_543 : vector<16xf32>
      %max3A_546 = arith.maximumf %max3A_525, %min3A_545 : vector<16xf32>
      %min3A_547 = arith.minimumf %max3A_525, %min3A_545 : vector<16xf32>
      %get3A_548 = arith.constant 25 : i32
      %get3A_549 = arith.index_cast %get3A_548 : i32 to index
      %get3A_550 = arith.index_cast %mul3A_10 : i32 to index
      %get3A_551 = tpu.vector_load %arg4[%get3A_549, %get3A_550] {strides = array<i32>} : memref<64x256xf32, #tpu.memory_space<vmem>>, vector<1x16xf32>,
      %get3A_552 = vector.shape_cast %get3A_551 : vector<1x16xf32> to vector<16xf32>
      %max3A_553 = arith.maximumf %max3A_532, %get3A_552 : vector<16xf32>
      %min3A_554 = arith.minimumf %max3A_532, %get3A_552 : vector<16xf32>
      %max3A_555 = arith.maximumf %max3A_534, %min3A_554 : vector<16xf32>
      %min3A_556 = arith.minimumf %max3A_534, %min3A_554 : vector<16xf32>
      %max3A_557 = arith.maximumf %max3A_536, %min3A_556 : vector<16xf32>
      %min3A_558 = arith.minimumf %max3A_536, %min3A_556 : vector<16xf32>
      %max3A_559 = arith.maximumf %max3A_538, %min3A_558 : vector<16xf32>
      %min3A_560 = arith.minimumf %max3A_538, %min3A_558 : vector<16xf32>
      %max3A_561 = arith.maximumf %max3A_540, %min3A_560 : vector<16xf32>
      %min3A_562 = arith.minimumf %max3A_540, %min3A_560 : vector<16xf32>
      %max3A_563 = arith.maximumf %max3A_542, %min3A_562 : vector<16xf32>
      %min3A_564 = arith.minimumf %max3A_542, %min3A_562 : vector<16xf32>
      %max3A_565 = arith.maximumf %max3A_544, %min3A_564 : vector<16xf32>
      %min3A_566 = arith.minimumf %max3A_544, %min3A_564 : vector<16xf32>
      %max3A_567 = arith.maximumf %max3A_546, %min3A_566 : vector<16xf32>
      %min3A_568 = arith.minimumf %max3A_546, %min3A_566 : vector<16xf32>
      %get3A_569 = arith.constant 26 : i32
      %get3A_570 = arith.index_cast %get3A_569 : i32 to index
      %get3A_571 = arith.index_cast %mul3A_10 : i32 to index
      %get3A_572 = tpu.vector_load %arg4[%get3A_570, %get3A_571] {strides = array<i32>} : memref<64x256xf32, #tpu.memory_space<vmem>>, vector<1x16xf32>,
      %get3A_573 = vector.shape_cast %get3A_572 : vector<1x16xf32> to vector<16xf32>
      %max3A_574 = arith.maximumf %max3A_553, %get3A_573 : vector<16xf32>
      %min3A_575 = arith.minimumf %max3A_553, %get3A_573 : vector<16xf32>
      %max3A_576 = arith.maximumf %max3A_555, %min3A_575 : vector<16xf32>
      %min3A_577 = arith.minimumf %max3A_555, %min3A_575 : vector<16xf32>
      %max3A_578 = arith.maximumf %max3A_557, %min3A_577 : vector<16xf32>
      %min3A_579 = arith.minimumf %max3A_557, %min3A_577 : vector<16xf32>
      %max3A_580 = arith.maximumf %max3A_559, %min3A_579 : vector<16xf32>
      %min3A_581 = arith.minimumf %max3A_559, %min3A_579 : vector<16xf32>
      %max3A_582 = arith.maximumf %max3A_561, %min3A_581 : vector<16xf32>
      %min3A_583 = arith.minimumf %max3A_561, %min3A_581 : vector<16xf32>
      %max3A_584 = arith.maximumf %max3A_563, %min3A_583 : vector<16xf32>
      %min3A_585 = arith.minimumf %max3A_563, %min3A_583 : vector<16xf32>
      %max3A_586 = arith.maximumf %max3A_565, %min3A_585 : vector<16xf32>
      %min3A_587 = arith.minimumf %max3A_565, %min3A_585 : vector<16xf32>
      %max3A_588 = arith.maximumf %max3A_567, %min3A_587 : vector<16xf32>
      %min3A_589 = arith.minimumf %max3A_567, %min3A_587 : vector<16xf32>
      %get3A_590 = arith.constant 27 : i32
      %get3A_591 = arith.index_cast %get3A_590 : i32 to index
      %get3A_592 = arith.index_cast %mul3A_10 : i32 to index
      %get3A_593 = tpu.vector_load %arg4[%get3A_591, %get3A_592] {strides = array<i32>} : memref<64x256xf32, #tpu.memory_space<vmem>>, vector<1x16xf32>,
      %get3A_594 = vector.shape_cast %get3A_593 : vector<1x16xf32> to vector<16xf32>
      %max3A_595 = arith.maximumf %max3A_574, %get3A_594 : vector<16xf32>
      %min3A_596 = arith.minimumf %max3A_574, %get3A_594 : vector<16xf32>
      %max3A_597 = arith.maximumf %max3A_576, %min3A_596 : vector<16xf32>
      %min3A_598 = arith.minimumf %max3A_576, %min3A_596 : vector<16xf32>
      %max3A_599 = arith.maximumf %max3A_578, %min3A_598 : vector<16xf32>
      %min3A_600 = arith.minimumf %max3A_578, %min3A_598 : vector<16xf32>
      %max3A_601 = arith.maximumf %max3A_580, %min3A_600 : vector<16xf32>
      %min3A_602 = arith.minimumf %max3A_580, %min3A_600 : vector<16xf32>
      %max3A_603 = arith.maximumf %max3A_582, %min3A_602 : vector<16xf32>
      %min3A_604 = arith.minimumf %max3A_582, %min3A_602 : vector<16xf32>
      %max3A_605 = arith.maximumf %max3A_584, %min3A_604 : vector<16xf32>
      %min3A_606 = arith.minimumf %max3A_584, %min3A_604 : vector<16xf32>
      %max3A_607 = arith.maximumf %max3A_586, %min3A_606 : vector<16xf32>
      %min3A_608 = arith.minimumf %max3A_586, %min3A_606 : vector<16xf32>
      %max3A_609 = arith.maximumf %max3A_588, %min3A_608 : vector<16xf32>
      %min3A_610 = arith.minimumf %max3A_588, %min3A_608 : vector<16xf32>
      %get3A_611 = arith.constant 28 : i32
      %get3A_612 = arith.index_cast %get3A_611 : i32 to index
      %get3A_613 = arith.index_cast %mul3A_10 : i32 to index
      %get3A_614 = tpu.vector_load %arg4[%get3A_612, %get3A_613] {strides = array<i32>} : memref<64x256xf32, #tpu.memory_space<vmem>>, vector<1x16xf32>,
      %get3A_615 = vector.shape_cast %get3A_614 : vector<1x16xf32> to vector<16xf32>
      %max3A_616 = arith.maximumf %max3A_595, %get3A_615 : vector<16xf32>
      %min3A_617 = arith.minimumf %max3A_595, %get3A_615 : vector<16xf32>
      %max3A_618 = arith.maximumf %max3A_597, %min3A_617 : vector<16xf32>
      %min3A_619 = arith.minimumf %max3A_597, %min3A_617 : vector<16xf32>
      %max3A_620 = arith.maximumf %max3A_599, %min3A_619 : vector<16xf32>
      %min3A_621 = arith.minimumf %max3A_599, %min3A_619 : vector<16xf32>
      %max3A_622 = arith.maximumf %max3A_601, %min3A_621 : vector<16xf32>
      %min3A_623 = arith.minimumf %max3A_601, %min3A_621 : vector<16xf32>
      %max3A_624 = arith.maximumf %max3A_603, %min3A_623 : vector<16xf32>
      %min3A_625 = arith.minimumf %max3A_603, %min3A_623 : vector<16xf32>
      %max3A_626 = arith.maximumf %max3A_605, %min3A_625 : vector<16xf32>
      %min3A_627 = arith.minimumf %max3A_605, %min3A_625 : vector<16xf32>
      %max3A_628 = arith.maximumf %max3A_607, %min3A_627 : vector<16xf32>
      %min3A_629 = arith.minimumf %max3A_607, %min3A_627 : vector<16xf32>
      %max3A_630 = arith.maximumf %max3A_609, %min3A_629 : vector<16xf32>
      %min3A_631 = arith.minimumf %max3A_609, %min3A_629 : vector<16xf32>
      %get3A_632 = arith.constant 29 : i32
      %get3A_633 = arith.index_cast %get3A_632 : i32 to index
      %get3A_634 = arith.index_cast %mul3A_10 : i32 to index
      %get3A_635 = tpu.vector_load %arg4[%get3A_633, %get3A_634] {strides = array<i32>} : memref<64x256xf32, #tpu.memory_space<vmem>>, vector<1x16xf32>,
      %get3A_636 = vector.shape_cast %get3A_635 : vector<1x16xf32> to vector<16xf32>
      %max3A_637 = arith.maximumf %max3A_616, %get3A_636 : vector<16xf32>
      %min3A_638 = arith.minimumf %max3A_616, %get3A_636 : vector<16xf32>
      %max3A_639 = arith.maximumf %max3A_618, %min3A_638 : vector<16xf32>
      %min3A_640 = arith.minimumf %max3A_618, %min3A_638 : vector<16xf32>
      %max3A_641 = arith.maximumf %max3A_620, %min3A_640 : vector<16xf32>
      %min3A_642 = arith.minimumf %max3A_620, %min3A_640 : vector<16xf32>
      %max3A_643 = arith.maximumf %max3A_622, %min3A_642 : vector<16xf32>
      %min3A_644 = arith.minimumf %max3A_622, %min3A_642 : vector<16xf32>
      %max3A_645 = arith.maximumf %max3A_624, %min3A_644 : vector<16xf32>
      %min3A_646 = arith.minimumf %max3A_624, %min3A_644 : vector<16xf32>
      %max3A_647 = arith.maximumf %max3A_626, %min3A_646 : vector<16xf32>
      %min3A_648 = arith.minimumf %max3A_626, %min3A_646 : vector<16xf32>
      %max3A_649 = arith.maximumf %max3A_628, %min3A_648 : vector<16xf32>
      %min3A_650 = arith.minimumf %max3A_628, %min3A_648 : vector<16xf32>
      %max3A_651 = arith.maximumf %max3A_630, %min3A_650 : vector<16xf32>
      %min3A_652 = arith.minimumf %max3A_630, %min3A_650 : vector<16xf32>
      %get3A_653 = arith.constant 30 : i32
      %get3A_654 = arith.index_cast %get3A_653 : i32 to index
      %get3A_655 = arith.index_cast %mul3A_10 : i32 to index
      %get3A_656 = tpu.vector_load %arg4[%get3A_654, %get3A_655] {strides = array<i32>} : memref<64x256xf32, #tpu.memory_space<vmem>>, vector<1x16xf32>,
      %get3A_657 = vector.shape_cast %get3A_656 : vector<1x16xf32> to vector<16xf32>
      %max3A_658 = arith.maximumf %max3A_637, %get3A_657 : vector<16xf32>
      %min3A_659 = arith.minimumf %max3A_637, %get3A_657 : vector<16xf32>
      %max3A_660 = arith.maximumf %max3A_639, %min3A_659 : vector<16xf32>
      %min3A_661 = arith.minimumf %max3A_639, %min3A_659 : vector<16xf32>
      %max3A_662 = arith.maximumf %max3A_641, %min3A_661 : vector<16xf32>
      %min3A_663 = arith.minimumf %max3A_641, %min3A_661 : vector<16xf32>
      %max3A_664 = arith.maximumf %max3A_643, %min3A_663 : vector<16xf32>
      %min3A_665 = arith.minimumf %max3A_643, %min3A_663 : vector<16xf32>
      %max3A_666 = arith.maximumf %max3A_645, %min3A_665 : vector<16xf32>
      %min3A_667 = arith.minimumf %max3A_645, %min3A_665 : vector<16xf32>
      %max3A_668 = arith.maximumf %max3A_647, %min3A_667 : vector<16xf32>
      %min3A_669 = arith.minimumf %max3A_647, %min3A_667 : vector<16xf32>
      %max3A_670 = arith.maximumf %max3A_649, %min3A_669 : vector<16xf32>
      %min3A_671 = arith.minimumf %max3A_649, %min3A_669 : vector<16xf32>
      %max3A_672 = arith.maximumf %max3A_651, %min3A_671 : vector<16xf32>
      %min3A_673 = arith.minimumf %max3A_651, %min3A_671 : vector<16xf32>
      %get3A_674 = arith.constant 31 : i32
      %get3A_675 = arith.index_cast %get3A_674 : i32 to index
      %get3A_676 = arith.index_cast %mul3A_10 : i32 to index
      %get3A_677 = tpu.vector_load %arg4[%get3A_675, %get3A_676] {strides = array<i32>} : memref<64x256xf32, #tpu.memory_space<vmem>>, vector<1x16xf32>,
      %get3A_678 = vector.shape_cast %get3A_677 : vector<1x16xf32> to vector<16xf32>
      %max3A_679 = arith.maximumf %max3A_658, %get3A_678 : vector<16xf32>
      %min3A_680 = arith.minimumf %max3A_658, %get3A_678 : vector<16xf32>
      %max3A_681 = arith.maximumf %max3A_660, %min3A_680 : vector<16xf32>
      %min3A_682 = arith.minimumf %max3A_660, %min3A_680 : vector<16xf32>
      %max3A_683 = arith.maximumf %max3A_662, %min3A_682 : vector<16xf32>
      %min3A_684 = arith.minimumf %max3A_662, %min3A_682 : vector<16xf32>
      %max3A_685 = arith.maximumf %max3A_664, %min3A_684 : vector<16xf32>
      %min3A_686 = arith.minimumf %max3A_664, %min3A_684 : vector<16xf32>
      %max3A_687 = arith.maximumf %max3A_666, %min3A_686 : vector<16xf32>
      %min3A_688 = arith.minimumf %max3A_666, %min3A_686 : vector<16xf32>
      %max3A_689 = arith.maximumf %max3A_668, %min3A_688 : vector<16xf32>
      %min3A_690 = arith.minimumf %max3A_668, %min3A_688 : vector<16xf32>
      %max3A_691 = arith.maximumf %max3A_670, %min3A_690 : vector<16xf32>
      %min3A_692 = arith.minimumf %max3A_670, %min3A_690 : vector<16xf32>
      %max3A_693 = arith.maximumf %max3A_672, %min3A_692 : vector<16xf32>
      %min3A_694 = arith.minimumf %max3A_672, %min3A_692 : vector<16xf32>
      %get3A_695 = arith.constant 32 : i32
      %get3A_696 = arith.index_cast %get3A_695 : i32 to index
      %get3A_697 = arith.index_cast %mul3A_10 : i32 to index
      %get3A_698 = tpu.vector_load %arg4[%get3A_696, %get3A_697] {strides = array<i32>} : memref<64x256xf32, #tpu.memory_space<vmem>>, vector<1x16xf32>,
      %get3A_699 = vector.shape_cast %get3A_698 : vector<1x16xf32> to vector<16xf32>
      %max3A_700 = arith.maximumf %max3A_679, %get3A_699 : vector<16xf32>
      %min3A_701 = arith.minimumf %max3A_679, %get3A_699 : vector<16xf32>
      %max3A_702 = arith.maximumf %max3A_681, %min3A_701 : vector<16xf32>
      %min3A_703 = arith.minimumf %max3A_681, %min3A_701 : vector<16xf32>
      %max3A_704 = arith.maximumf %max3A_683, %min3A_703 : vector<16xf32>
      %min3A_705 = arith.minimumf %max3A_683, %min3A_703 : vector<16xf32>
      %max3A_706 = arith.maximumf %max3A_685, %min3A_705 : vector<16xf32>
      %min3A_707 = arith.minimumf %max3A_685, %min3A_705 : vector<16xf32>
      %max3A_708 = arith.maximumf %max3A_687, %min3A_707 : vector<16xf32>
      %min3A_709 = arith.minimumf %max3A_687, %min3A_707 : vector<16xf32>
      %max3A_710 = arith.maximumf %max3A_689, %min3A_709 : vector<16xf32>
      %min3A_711 = arith.minimumf %max3A_689, %min3A_709 : vector<16xf32>
      %max3A_712 = arith.maximumf %max3A_691, %min3A_711 : vector<16xf32>
      %min3A_713 = arith.minimumf %max3A_691, %min3A_711 : vector<16xf32>
      %max3A_714 = arith.maximumf %max3A_693, %min3A_713 : vector<16xf32>
      %min3A_715 = arith.minimumf %max3A_693, %min3A_713 : vector<16xf32>
      %get3A_716 = arith.constant 33 : i32
      %get3A_717 = arith.index_cast %get3A_716 : i32 to index
      %get3A_718 = arith.index_cast %mul3A_10 : i32 to index
      %get3A_719 = tpu.vector_load %arg4[%get3A_717, %get3A_718] {strides = array<i32>} : memref<64x256xf32, #tpu.memory_space<vmem>>, vector<1x16xf32>,
      %get3A_720 = vector.shape_cast %get3A_719 : vector<1x16xf32> to vector<16xf32>
      %max3A_721 = arith.maximumf %max3A_700, %get3A_720 : vector<16xf32>
      %min3A_722 = arith.minimumf %max3A_700, %get3A_720 : vector<16xf32>
      %max3A_723 = arith.maximumf %max3A_702, %min3A_722 : vector<16xf32>
      %min3A_724 = arith.minimumf %max3A_702, %min3A_722 : vector<16xf32>
      %max3A_725 = arith.maximumf %max3A_704, %min3A_724 : vector<16xf32>
      %min3A_726 = arith.minimumf %max3A_704, %min3A_724 : vector<16xf32>
      %max3A_727 = arith.maximumf %max3A_706, %min3A_726 : vector<16xf32>
      %min3A_728 = arith.minimumf %max3A_706, %min3A_726 : vector<16xf32>
      %max3A_729 = arith.maximumf %max3A_708, %min3A_728 : vector<16xf32>
      %min3A_730 = arith.minimumf %max3A_708, %min3A_728 : vector<16xf32>
      %max3A_731 = arith.maximumf %max3A_710, %min3A_730 : vector<16xf32>
      %min3A_732 = arith.minimumf %max3A_710, %min3A_730 : vector<16xf32>
      %max3A_733 = arith.maximumf %max3A_712, %min3A_732 : vector<16xf32>
      %min3A_734 = arith.minimumf %max3A_712, %min3A_732 : vector<16xf32>
      %max3A_735 = arith.maximumf %max3A_714, %min3A_734 : vector<16xf32>
      %min3A_736 = arith.minimumf %max3A_714, %min3A_734 : vector<16xf32>
      %get3A_737 = arith.constant 34 : i32
      %get3A_738 = arith.index_cast %get3A_737 : i32 to index
      %get3A_739 = arith.index_cast %mul3A_10 : i32 to index
      %get3A_740 = tpu.vector_load %arg4[%get3A_738, %get3A_739] {strides = array<i32>} : memref<64x256xf32, #tpu.memory_space<vmem>>, vector<1x16xf32>,
      %get3A_741 = vector.shape_cast %get3A_740 : vector<1x16xf32> to vector<16xf32>
      %max3A_742 = arith.maximumf %max3A_721, %get3A_741 : vector<16xf32>
      %min3A_743 = arith.minimumf %max3A_721, %get3A_741 : vector<16xf32>
      %max3A_744 = arith.maximumf %max3A_723, %min3A_743 : vector<16xf32>
      %min3A_745 = arith.minimumf %max3A_723, %min3A_743 : vector<16xf32>
      %max3A_746 = arith.maximumf %max3A_725, %min3A_745 : vector<16xf32>
      %min3A_747 = arith.minimumf %max3A_725, %min3A_745 : vector<16xf32>
      %max3A_748 = arith.maximumf %max3A_727, %min3A_747 : vector<16xf32>
      %min3A_749 = arith.minimumf %max3A_727, %min3A_747 : vector<16xf32>
      %max3A_750 = arith.maximumf %max3A_729, %min3A_749 : vector<16xf32>
      %min3A_751 = arith.minimumf %max3A_729, %min3A_749 : vector<16xf32>
      %max3A_752 = arith.maximumf %max3A_731, %min3A_751 : vector<16xf32>
      %min3A_753 = arith.minimumf %max3A_731, %min3A_751 : vector<16xf32>
      %max3A_754 = arith.maximumf %max3A_733, %min3A_753 : vector<16xf32>
      %min3A_755 = arith.minimumf %max3A_733, %min3A_753 : vector<16xf32>
      %max3A_756 = arith.maximumf %max3A_735, %min3A_755 : vector<16xf32>
      %min3A_757 = arith.minimumf %max3A_735, %min3A_755 : vector<16xf32>
      %get3A_758 = arith.constant 35 : i32
      %get3A_759 = arith.index_cast %get3A_758 : i32 to index
      %get3A_760 = arith.index_cast %mul3A_10 : i32 to index
      %get3A_761 = tpu.vector_load %arg4[%get3A_759, %get3A_760] {strides = array<i32>} : memref<64x256xf32, #tpu.memory_space<vmem>>, vector<1x16xf32>,
      %get3A_762 = vector.shape_cast %get3A_761 : vector<1x16xf32> to vector<16xf32>
      %max3A_763 = arith.maximumf %max3A_742, %get3A_762 : vector<16xf32>
      %min3A_764 = arith.minimumf %max3A_742, %get3A_762 : vector<16xf32>
      %max3A_765 = arith.maximumf %max3A_744, %min3A_764 : vector<16xf32>
      %min3A_766 = arith.minimumf %max3A_744, %min3A_764 : vector<16xf32>
      %max3A_767 = arith.maximumf %max3A_746, %min3A_766 : vector<16xf32>
      %min3A_768 = arith.minimumf %max3A_746, %min3A_766 : vector<16xf32>
      %max3A_769 = arith.maximumf %max3A_748, %min3A_768 : vector<16xf32>
      %min3A_770 = arith.minimumf %max3A_748, %min3A_768 : vector<16xf32>
      %max3A_771 = arith.maximumf %max3A_750, %min3A_770 : vector<16xf32>
      %min3A_772 = arith.minimumf %max3A_750, %min3A_770 : vector<16xf32>
      %max3A_773 = arith.maximumf %max3A_752, %min3A_772 : vector<16xf32>
      %min3A_774 = arith.minimumf %max3A_752, %min3A_772 : vector<16xf32>
      %max3A_775 = arith.maximumf %max3A_754, %min3A_774 : vector<16xf32>
      %min3A_776 = arith.minimumf %max3A_754, %min3A_774 : vector<16xf32>
      %max3A_777 = arith.maximumf %max3A_756, %min3A_776 : vector<16xf32>
      %min3A_778 = arith.minimumf %max3A_756, %min3A_776 : vector<16xf32>
      %get3A_779 = arith.constant 36 : i32
      %get3A_780 = arith.index_cast %get3A_779 : i32 to index
      %get3A_781 = arith.index_cast %mul3A_10 : i32 to index
      %get3A_782 = tpu.vector_load %arg4[%get3A_780, %get3A_781] {strides = array<i32>} : memref<64x256xf32, #tpu.memory_space<vmem>>, vector<1x16xf32>,
      %get3A_783 = vector.shape_cast %get3A_782 : vector<1x16xf32> to vector<16xf32>
      %max3A_784 = arith.maximumf %max3A_763, %get3A_783 : vector<16xf32>
      %min3A_785 = arith.minimumf %max3A_763, %get3A_783 : vector<16xf32>
      %max3A_786 = arith.maximumf %max3A_765, %min3A_785 : vector<16xf32>
      %min3A_787 = arith.minimumf %max3A_765, %min3A_785 : vector<16xf32>
      %max3A_788 = arith.maximumf %max3A_767, %min3A_787 : vector<16xf32>
      %min3A_789 = arith.minimumf %max3A_767, %min3A_787 : vector<16xf32>
      %max3A_790 = arith.maximumf %max3A_769, %min3A_789 : vector<16xf32>
      %min3A_791 = arith.minimumf %max3A_769, %min3A_789 : vector<16xf32>
      %max3A_792 = arith.maximumf %max3A_771, %min3A_791 : vector<16xf32>
      %min3A_793 = arith.minimumf %max3A_771, %min3A_791 : vector<16xf32>
      %max3A_794 = arith.maximumf %max3A_773, %min3A_793 : vector<16xf32>
      %min3A_795 = arith.minimumf %max3A_773, %min3A_793 : vector<16xf32>
      %max3A_796 = arith.maximumf %max3A_775, %min3A_795 : vector<16xf32>
      %min3A_797 = arith.minimumf %max3A_775, %min3A_795 : vector<16xf32>
      %max3A_798 = arith.maximumf %max3A_777, %min3A_797 : vector<16xf32>
      %min3A_799 = arith.minimumf %max3A_777, %min3A_797 : vector<16xf32>
      %get3A_800 = arith.constant 37 : i32
      %get3A_801 = arith.index_cast %get3A_800 : i32 to index
      %get3A_802 = arith.index_cast %mul3A_10 : i32 to index
      %get3A_803 = tpu.vector_load %arg4[%get3A_801, %get3A_802] {strides = array<i32>} : memref<64x256xf32, #tpu.memory_space<vmem>>, vector<1x16xf32>,
      %get3A_804 = vector.shape_cast %get3A_803 : vector<1x16xf32> to vector<16xf32>
      %max3A_805 = arith.maximumf %max3A_784, %get3A_804 : vector<16xf32>
      %min3A_806 = arith.minimumf %max3A_784, %get3A_804 : vector<16xf32>
      %max3A_807 = arith.maximumf %max3A_786, %min3A_806 : vector<16xf32>
      %min3A_808 = arith.minimumf %max3A_786, %min3A_806 : vector<16xf32>
      %max3A_809 = arith.maximumf %max3A_788, %min3A_808 : vector<16xf32>
      %min3A_810 = arith.minimumf %max3A_788, %min3A_808 : vector<16xf32>
      %max3A_811 = arith.maximumf %max3A_790, %min3A_810 : vector<16xf32>
      %min3A_812 = arith.minimumf %max3A_790, %min3A_810 : vector<16xf32>
      %max3A_813 = arith.maximumf %max3A_792, %min3A_812 : vector<16xf32>
      %min3A_814 = arith.minimumf %max3A_792, %min3A_812 : vector<16xf32>
      %max3A_815 = arith.maximumf %max3A_794, %min3A_814 : vector<16xf32>
      %min3A_816 = arith.minimumf %max3A_794, %min3A_814 : vector<16xf32>
      %max3A_817 = arith.maximumf %max3A_796, %min3A_816 : vector<16xf32>
      %min3A_818 = arith.minimumf %max3A_796, %min3A_816 : vector<16xf32>
      %max3A_819 = arith.maximumf %max3A_798, %min3A_818 : vector<16xf32>
      %min3A_820 = arith.minimumf %max3A_798, %min3A_818 : vector<16xf32>
      %get3A_821 = arith.constant 38 : i32
      %get3A_822 = arith.index_cast %get3A_821 : i32 to index
      %get3A_823 = arith.index_cast %mul3A_10 : i32 to index
      %get3A_824 = tpu.vector_load %arg4[%get3A_822, %get3A_823] {strides = array<i32>} : memref<64x256xf32, #tpu.memory_space<vmem>>, vector<1x16xf32>,
      %get3A_825 = vector.shape_cast %get3A_824 : vector<1x16xf32> to vector<16xf32>
      %max3A_826 = arith.maximumf %max3A_805, %get3A_825 : vector<16xf32>
      %min3A_827 = arith.minimumf %max3A_805, %get3A_825 : vector<16xf32>
      %max3A_828 = arith.maximumf %max3A_807, %min3A_827 : vector<16xf32>
      %min3A_829 = arith.minimumf %max3A_807, %min3A_827 : vector<16xf32>
      %max3A_830 = arith.maximumf %max3A_809, %min3A_829 : vector<16xf32>
      %min3A_831 = arith.minimumf %max3A_809, %min3A_829 : vector<16xf32>
      %max3A_832 = arith.maximumf %max3A_811, %min3A_831 : vector<16xf32>
      %min3A_833 = arith.minimumf %max3A_811, %min3A_831 : vector<16xf32>
      %max3A_834 = arith.maximumf %max3A_813, %min3A_833 : vector<16xf32>
      %min3A_835 = arith.minimumf %max3A_813, %min3A_833 : vector<16xf32>
      %max3A_836 = arith.maximumf %max3A_815, %min3A_835 : vector<16xf32>
      %min3A_837 = arith.minimumf %max3A_815, %min3A_835 : vector<16xf32>
      %max3A_838 = arith.maximumf %max3A_817, %min3A_837 : vector<16xf32>
      %min3A_839 = arith.minimumf %max3A_817, %min3A_837 : vector<16xf32>
      %max3A_840 = arith.maximumf %max3A_819, %min3A_839 : vector<16xf32>
      %min3A_841 = arith.minimumf %max3A_819, %min3A_839 : vector<16xf32>
      %get3A_842 = arith.constant 39 : i32
      %get3A_843 = arith.index_cast %get3A_842 : i32 to index
      %get3A_844 = arith.index_cast %mul3A_10 : i32 to index
      %get3A_845 = tpu.vector_load %arg4[%get3A_843, %get3A_844] {strides = array<i32>} : memref<64x256xf32, #tpu.memory_space<vmem>>, vector<1x16xf32>,
      %get3A_846 = vector.shape_cast %get3A_845 : vector<1x16xf32> to vector<16xf32>
      %max3A_847 = arith.maximumf %max3A_826, %get3A_846 : vector<16xf32>
      %min3A_848 = arith.minimumf %max3A_826, %get3A_846 : vector<16xf32>
      %max3A_849 = arith.maximumf %max3A_828, %min3A_848 : vector<16xf32>
      %min3A_850 = arith.minimumf %max3A_828, %min3A_848 : vector<16xf32>
      %max3A_851 = arith.maximumf %max3A_830, %min3A_850 : vector<16xf32>
      %min3A_852 = arith.minimumf %max3A_830, %min3A_850 : vector<16xf32>
      %max3A_853 = arith.maximumf %max3A_832, %min3A_852 : vector<16xf32>
      %min3A_854 = arith.minimumf %max3A_832, %min3A_852 : vector<16xf32>
      %max3A_855 = arith.maximumf %max3A_834, %min3A_854 : vector<16xf32>
      %min3A_856 = arith.minimumf %max3A_834, %min3A_854 : vector<16xf32>
      %max3A_857 = arith.maximumf %max3A_836, %min3A_856 : vector<16xf32>
      %min3A_858 = arith.minimumf %max3A_836, %min3A_856 : vector<16xf32>
      %max3A_859 = arith.maximumf %max3A_838, %min3A_858 : vector<16xf32>
      %min3A_860 = arith.minimumf %max3A_838, %min3A_858 : vector<16xf32>
      %max3A_861 = arith.maximumf %max3A_840, %min3A_860 : vector<16xf32>
      %min3A_862 = arith.minimumf %max3A_840, %min3A_860 : vector<16xf32>
      %get3A_863 = arith.constant 40 : i32
      %get3A_864 = arith.index_cast %get3A_863 : i32 to index
      %get3A_865 = arith.index_cast %mul3A_10 : i32 to index
      %get3A_866 = tpu.vector_load %arg4[%get3A_864, %get3A_865] {strides = array<i32>} : memref<64x256xf32, #tpu.memory_space<vmem>>, vector<1x16xf32>,
      %get3A_867 = vector.shape_cast %get3A_866 : vector<1x16xf32> to vector<16xf32>
      %max3A_868 = arith.maximumf %max3A_847, %get3A_867 : vector<16xf32>
      %min3A_869 = arith.minimumf %max3A_847, %get3A_867 : vector<16xf32>
      %max3A_870 = arith.maximumf %max3A_849, %min3A_869 : vector<16xf32>
      %min3A_871 = arith.minimumf %max3A_849, %min3A_869 : vector<16xf32>
      %max3A_872 = arith.maximumf %max3A_851, %min3A_871 : vector<16xf32>
      %min3A_873 = arith.minimumf %max3A_851, %min3A_871 : vector<16xf32>
      %max3A_874 = arith.maximumf %max3A_853, %min3A_873 : vector<16xf32>
      %min3A_875 = arith.minimumf %max3A_853, %min3A_873 : vector<16xf32>
      %max3A_876 = arith.maximumf %max3A_855, %min3A_875 : vector<16xf32>
      %min3A_877 = arith.minimumf %max3A_855, %min3A_875 : vector<16xf32>
      %max3A_878 = arith.maximumf %max3A_857, %min3A_877 : vector<16xf32>
      %min3A_879 = arith.minimumf %max3A_857, %min3A_877 : vector<16xf32>
      %max3A_880 = arith.maximumf %max3A_859, %min3A_879 : vector<16xf32>
      %min3A_881 = arith.minimumf %max3A_859, %min3A_879 : vector<16xf32>
      %max3A_882 = arith.maximumf %max3A_861, %min3A_881 : vector<16xf32>
      %min3A_883 = arith.minimumf %max3A_861, %min3A_881 : vector<16xf32>
      %get3A_884 = arith.constant 41 : i32
      %get3A_885 = arith.index_cast %get3A_884 : i32 to index
      %get3A_886 = arith.index_cast %mul3A_10 : i32 to index
      %get3A_887 = tpu.vector_load %arg4[%get3A_885, %get3A_886] {strides = array<i32>} : memref<64x256xf32, #tpu.memory_space<vmem>>, vector<1x16xf32>,
      %get3A_888 = vector.shape_cast %get3A_887 : vector<1x16xf32> to vector<16xf32>
      %max3A_889 = arith.maximumf %max3A_868, %get3A_888 : vector<16xf32>
      %min3A_890 = arith.minimumf %max3A_868, %get3A_888 : vector<16xf32>
      %max3A_891 = arith.maximumf %max3A_870, %min3A_890 : vector<16xf32>
      %min3A_892 = arith.minimumf %max3A_870, %min3A_890 : vector<16xf32>
      %max3A_893 = arith.maximumf %max3A_872, %min3A_892 : vector<16xf32>
      %min3A_894 = arith.minimumf %max3A_872, %min3A_892 : vector<16xf32>
      %max3A_895 = arith.maximumf %max3A_874, %min3A_894 : vector<16xf32>
      %min3A_896 = arith.minimumf %max3A_874, %min3A_894 : vector<16xf32>
      %max3A_897 = arith.maximumf %max3A_876, %min3A_896 : vector<16xf32>
      %min3A_898 = arith.minimumf %max3A_876, %min3A_896 : vector<16xf32>
      %max3A_899 = arith.maximumf %max3A_878, %min3A_898 : vector<16xf32>
      %min3A_900 = arith.minimumf %max3A_878, %min3A_898 : vector<16xf32>
      %max3A_901 = arith.maximumf %max3A_880, %min3A_900 : vector<16xf32>
      %min3A_902 = arith.minimumf %max3A_880, %min3A_900 : vector<16xf32>
      %max3A_903 = arith.maximumf %max3A_882, %min3A_902 : vector<16xf32>
      %min3A_904 = arith.minimumf %max3A_882, %min3A_902 : vector<16xf32>
      %get3A_905 = arith.constant 42 : i32
      %get3A_906 = arith.index_cast %get3A_905 : i32 to index
      %get3A_907 = arith.index_cast %mul3A_10 : i32 to index
      %get3A_908 = tpu.vector_load %arg4[%get3A_906, %get3A_907] {strides = array<i32>} : memref<64x256xf32, #tpu.memory_space<vmem>>, vector<1x16xf32>,
      %get3A_909 = vector.shape_cast %get3A_908 : vector<1x16xf32> to vector<16xf32>
      %max3A_910 = arith.maximumf %max3A_889, %get3A_909 : vector<16xf32>
      %min3A_911 = arith.minimumf %max3A_889, %get3A_909 : vector<16xf32>
      %max3A_912 = arith.maximumf %max3A_891, %min3A_911 : vector<16xf32>
      %min3A_913 = arith.minimumf %max3A_891, %min3A_911 : vector<16xf32>
      %max3A_914 = arith.maximumf %max3A_893, %min3A_913 : vector<16xf32>
      %min3A_915 = arith.minimumf %max3A_893, %min3A_913 : vector<16xf32>
      %max3A_916 = arith.maximumf %max3A_895, %min3A_915 : vector<16xf32>
      %min3A_917 = arith.minimumf %max3A_895, %min3A_915 : vector<16xf32>
      %max3A_918 = arith.maximumf %max3A_897, %min3A_917 : vector<16xf32>
      %min3A_919 = arith.minimumf %max3A_897, %min3A_917 : vector<16xf32>
      %max3A_920 = arith.maximumf %max3A_899, %min3A_919 : vector<16xf32>
      %min3A_921 = arith.minimumf %max3A_899, %min3A_919 : vector<16xf32>
      %max3A_922 = arith.maximumf %max3A_901, %min3A_921 : vector<16xf32>
      %min3A_923 = arith.minimumf %max3A_901, %min3A_921 : vector<16xf32>
      %max3A_924 = arith.maximumf %max3A_903, %min3A_923 : vector<16xf32>
      %min3A_925 = arith.minimumf %max3A_903, %min3A_923 : vector<16xf32>
      %get3A_926 = arith.constant 43 : i32
      %get3A_927 = arith.index_cast %get3A_926 : i32 to index
      %get3A_928 = arith.index_cast %mul3A_10 : i32 to index
      %get3A_929 = tpu.vector_load %arg4[%get3A_927, %get3A_928] {strides = array<i32>} : memref<64x256xf32, #tpu.memory_space<vmem>>, vector<1x16xf32>,
      %get3A_930 = vector.shape_cast %get3A_929 : vector<1x16xf32> to vector<16xf32>
      %max3A_931 = arith.maximumf %max3A_910, %get3A_930 : vector<16xf32>
      %min3A_932 = arith.minimumf %max3A_910, %get3A_930 : vector<16xf32>
      %max3A_933 = arith.maximumf %max3A_912, %min3A_932 : vector<16xf32>
      %min3A_934 = arith.minimumf %max3A_912, %min3A_932 : vector<16xf32>
      %max3A_935 = arith.maximumf %max3A_914, %min3A_934 : vector<16xf32>
      %min3A_936 = arith.minimumf %max3A_914, %min3A_934 : vector<16xf32>
      %max3A_937 = arith.maximumf %max3A_916, %min3A_936 : vector<16xf32>
      %min3A_938 = arith.minimumf %max3A_916, %min3A_936 : vector<16xf32>
      %max3A_939 = arith.maximumf %max3A_918, %min3A_938 : vector<16xf32>
      %min3A_940 = arith.minimumf %max3A_918, %min3A_938 : vector<16xf32>
      %max3A_941 = arith.maximumf %max3A_920, %min3A_940 : vector<16xf32>
      %min3A_942 = arith.minimumf %max3A_920, %min3A_940 : vector<16xf32>
      %max3A_943 = arith.maximumf %max3A_922, %min3A_942 : vector<16xf32>
      %min3A_944 = arith.minimumf %max3A_922, %min3A_942 : vector<16xf32>
      %max3A_945 = arith.maximumf %max3A_924, %min3A_944 : vector<16xf32>
      %min3A_946 = arith.minimumf %max3A_924, %min3A_944 : vector<16xf32>
      %get3A_947 = arith.constant 44 : i32
      %get3A_948 = arith.index_cast %get3A_947 : i32 to index
      %get3A_949 = arith.index_cast %mul3A_10 : i32 to index
      %get3A_950 = tpu.vector_load %arg4[%get3A_948, %get3A_949] {strides = array<i32>} : memref<64x256xf32, #tpu.memory_space<vmem>>, vector<1x16xf32>,
      %get3A_951 = vector.shape_cast %get3A_950 : vector<1x16xf32> to vector<16xf32>
      %max3A_952 = arith.maximumf %max3A_931, %get3A_951 : vector<16xf32>
      %min3A_953 = arith.minimumf %max3A_931, %get3A_951 : vector<16xf32>
      %max3A_954 = arith.maximumf %max3A_933, %min3A_953 : vector<16xf32>
      %min3A_955 = arith.minimumf %max3A_933, %min3A_953 : vector<16xf32>
      %max3A_956 = arith.maximumf %max3A_935, %min3A_955 : vector<16xf32>
      %min3A_957 = arith.minimumf %max3A_935, %min3A_955 : vector<16xf32>
      %max3A_958 = arith.maximumf %max3A_937, %min3A_957 : vector<16xf32>
      %min3A_959 = arith.minimumf %max3A_937, %min3A_957 : vector<16xf32>
      %max3A_960 = arith.maximumf %max3A_939, %min3A_959 : vector<16xf32>
      %min3A_961 = arith.minimumf %max3A_939, %min3A_959 : vector<16xf32>
      %max3A_962 = arith.maximumf %max3A_941, %min3A_961 : vector<16xf32>
      %min3A_963 = arith.minimumf %max3A_941, %min3A_961 : vector<16xf32>
      %max3A_964 = arith.maximumf %max3A_943, %min3A_963 : vector<16xf32>
      %min3A_965 = arith.minimumf %max3A_943, %min3A_963 : vector<16xf32>
      %max3A_966 = arith.maximumf %max3A_945, %min3A_965 : vector<16xf32>
      %min3A_967 = arith.minimumf %max3A_945, %min3A_965 : vector<16xf32>
      %get3A_968 = arith.constant 45 : i32
      %get3A_969 = arith.index_cast %get3A_968 : i32 to index
      %get3A_970 = arith.index_cast %mul3A_10 : i32 to index
      %get3A_971 = tpu.vector_load %arg4[%get3A_969, %get3A_970] {strides = array<i32>} : memref<64x256xf32, #tpu.memory_space<vmem>>, vector<1x16xf32>,
      %get3A_972 = vector.shape_cast %get3A_971 : vector<1x16xf32> to vector<16xf32>
      %max3A_973 = arith.maximumf %max3A_952, %get3A_972 : vector<16xf32>
      %min3A_974 = arith.minimumf %max3A_952, %get3A_972 : vector<16xf32>
      %max3A_975 = arith.maximumf %max3A_954, %min3A_974 : vector<16xf32>
      %min3A_976 = arith.minimumf %max3A_954, %min3A_974 : vector<16xf32>
      %max3A_977 = arith.maximumf %max3A_956, %min3A_976 : vector<16xf32>
      %min3A_978 = arith.minimumf %max3A_956, %min3A_976 : vector<16xf32>
      %max3A_979 = arith.maximumf %max3A_958, %min3A_978 : vector<16xf32>
      %min3A_980 = arith.minimumf %max3A_958, %min3A_978 : vector<16xf32>
      %max3A_981 = arith.maximumf %max3A_960, %min3A_980 : vector<16xf32>
      %min3A_982 = arith.minimumf %max3A_960, %min3A_980 : vector<16xf32>
      %max3A_983 = arith.maximumf %max3A_962, %min3A_982 : vector<16xf32>
      %min3A_984 = arith.minimumf %max3A_962, %min3A_982 : vector<16xf32>
      %max3A_985 = arith.maximumf %max3A_964, %min3A_984 : vector<16xf32>
      %min3A_986 = arith.minimumf %max3A_964, %min3A_984 : vector<16xf32>
      %max3A_987 = arith.maximumf %max3A_966, %min3A_986 : vector<16xf32>
      %min3A_988 = arith.minimumf %max3A_966, %min3A_986 : vector<16xf32>
      %get3A_989 = arith.constant 46 : i32
      %get3A_990 = arith.index_cast %get3A_989 : i32 to index
      %get3A_991 = arith.index_cast %mul3A_10 : i32 to index
      %get3A_992 = tpu.vector_load %arg4[%get3A_990, %get3A_991] {strides = array<i32>} : memref<64x256xf32, #tpu.memory_space<vmem>>, vector<1x16xf32>,
      %get3A_993 = vector.shape_cast %get3A_992 : vector<1x16xf32> to vector<16xf32>
      %max3A_994 = arith.maximumf %max3A_973, %get3A_993 : vector<16xf32>
      %min3A_995 = arith.minimumf %max3A_973, %get3A_993 : vector<16xf32>
      %max3A_996 = arith.maximumf %max3A_975, %min3A_995 : vector<16xf32>
      %min3A_997 = arith.minimumf %max3A_975, %min3A_995 : vector<16xf32>
      %max3A_998 = arith.maximumf %max3A_977, %min3A_997 : vector<16xf32>
      %min3A_999 = arith.minimumf %max3A_977, %min3A_997 : vector<16xf32>
      %max3A_1000 = arith.maximumf %max3A_979, %min3A_999 : vector<16xf32>
      %min3A_1001 = arith.minimumf %max3A_979, %min3A_999 : vector<16xf32>
      %max3A_1002 = arith.maximumf %max3A_981, %min3A_1001 : vector<16xf32>
      %min3A_1003 = arith.minimumf %max3A_981, %min3A_1001 : vector<16xf32>
      %max3A_1004 = arith.maximumf %max3A_983, %min3A_1003 : vector<16xf32>
      %min3A_1005 = arith.minimumf %max3A_983, %min3A_1003 : vector<16xf32>
      %max3A_1006 = arith.maximumf %max3A_985, %min3A_1005 : vector<16xf32>
      %min3A_1007 = arith.minimumf %max3A_985, %min3A_1005 : vector<16xf32>
      %max3A_1008 = arith.maximumf %max3A_987, %min3A_1007 : vector<16xf32>
      %min3A_1009 = arith.minimumf %max3A_987, %min3A_1007 : vector<16xf32>
      %get3A_1010 = arith.constant 47 : i32
      %get3A_1011 = arith.index_cast %get3A_1010 : i32 to index
      %get3A_1012 = arith.index_cast %mul3A_10 : i32 to index
      %get3A_1013 = tpu.vector_load %arg4[%get3A_1011, %get3A_1012] {strides = array<i32>} : memref<64x256xf32, #tpu.memory_space<vmem>>, vector<1x16xf32>,
      %get3A_1014 = vector.shape_cast %get3A_1013 : vector<1x16xf32> to vector<16xf32>
      %max3A_1015 = arith.maximumf %max3A_994, %get3A_1014 : vector<16xf32>
      %min3A_1016 = arith.minimumf %max3A_994, %get3A_1014 : vector<16xf32>
      %max3A_1017 = arith.maximumf %max3A_996, %min3A_1016 : vector<16xf32>
      %min3A_1018 = arith.minimumf %max3A_996, %min3A_1016 : vector<16xf32>
      %max3A_1019 = arith.maximumf %max3A_998, %min3A_1018 : vector<16xf32>
      %min3A_1020 = arith.minimumf %max3A_998, %min3A_1018 : vector<16xf32>
      %max3A_1021 = arith.maximumf %max3A_1000, %min3A_1020 : vector<16xf32>
      %min3A_1022 = arith.minimumf %max3A_1000, %min3A_1020 : vector<16xf32>
      %max3A_1023 = arith.maximumf %max3A_1002, %min3A_1022 : vector<16xf32>
      %min3A_1024 = arith.minimumf %max3A_1002, %min3A_1022 : vector<16xf32>
      %max3A_1025 = arith.maximumf %max3A_1004, %min3A_1024 : vector<16xf32>
      %min3A_1026 = arith.minimumf %max3A_1004, %min3A_1024 : vector<16xf32>
      %max3A_1027 = arith.maximumf %max3A_1006, %min3A_1026 : vector<16xf32>
      %min3A_1028 = arith.minimumf %max3A_1006, %min3A_1026 : vector<16xf32>
      %max3A_1029 = arith.maximumf %max3A_1008, %min3A_1028 : vector<16xf32>
      %min3A_1030 = arith.minimumf %max3A_1008, %min3A_1028 : vector<16xf32>
      %get3A_1031 = arith.constant 48 : i32
      %get3A_1032 = arith.index_cast %get3A_1031 : i32 to index
      %get3A_1033 = arith.index_cast %mul3A_10 : i32 to index
      %get3A_1034 = tpu.vector_load %arg4[%get3A_1032, %get3A_1033] {strides = array<i32>} : memref<64x256xf32, #tpu.memory_space<vmem>>, vector<1x16xf32>,
      %get3A_1035 = vector.shape_cast %get3A_1034 : vector<1x16xf32> to vector<16xf32>
      %max3A_1036 = arith.maximumf %max3A_1015, %get3A_1035 : vector<16xf32>
      %min3A_1037 = arith.minimumf %max3A_1015, %get3A_1035 : vector<16xf32>
      %max3A_1038 = arith.maximumf %max3A_1017, %min3A_1037 : vector<16xf32>
      %min3A_1039 = arith.minimumf %max3A_1017, %min3A_1037 : vector<16xf32>
      %max3A_1040 = arith.maximumf %max3A_1019, %min3A_1039 : vector<16xf32>
      %min3A_1041 = arith.minimumf %max3A_1019, %min3A_1039 : vector<16xf32>
      %max3A_1042 = arith.maximumf %max3A_1021, %min3A_1041 : vector<16xf32>
      %min3A_1043 = arith.minimumf %max3A_1021, %min3A_1041 : vector<16xf32>
      %max3A_1044 = arith.maximumf %max3A_1023, %min3A_1043 : vector<16xf32>
      %min3A_1045 = arith.minimumf %max3A_1023, %min3A_1043 : vector<16xf32>
      %max3A_1046 = arith.maximumf %max3A_1025, %min3A_1045 : vector<16xf32>
      %min3A_1047 = arith.minimumf %max3A_1025, %min3A_1045 : vector<16xf32>
      %max3A_1048 = arith.maximumf %max3A_1027, %min3A_1047 : vector<16xf32>
      %min3A_1049 = arith.minimumf %max3A_1027, %min3A_1047 : vector<16xf32>
      %max3A_1050 = arith.maximumf %max3A_1029, %min3A_1049 : vector<16xf32>
      %min3A_1051 = arith.minimumf %max3A_1029, %min3A_1049 : vector<16xf32>
      %get3A_1052 = arith.constant 49 : i32
      %get3A_1053 = arith.index_cast %get3A_1052 : i32 to index
      %get3A_1054 = arith.index_cast %mul3A_10 : i32 to index
      %get3A_1055 = tpu.vector_load %arg4[%get3A_1053, %get3A_1054] {strides = array<i32>} : memref<64x256xf32, #tpu.memory_space<vmem>>, vector<1x16xf32>,
      %get3A_1056 = vector.shape_cast %get3A_1055 : vector<1x16xf32> to vector<16xf32>
      %max3A_1057 = arith.maximumf %max3A_1036, %get3A_1056 : vector<16xf32>
      %min3A_1058 = arith.minimumf %max3A_1036, %get3A_1056 : vector<16xf32>
      %max3A_1059 = arith.maximumf %max3A_1038, %min3A_1058 : vector<16xf32>
      %min3A_1060 = arith.minimumf %max3A_1038, %min3A_1058 : vector<16xf32>
      %max3A_1061 = arith.maximumf %max3A_1040, %min3A_1060 : vector<16xf32>
      %min3A_1062 = arith.minimumf %max3A_1040, %min3A_1060 : vector<16xf32>
      %max3A_1063 = arith.maximumf %max3A_1042, %min3A_1062 : vector<16xf32>
      %min3A_1064 = arith.minimumf %max3A_1042, %min3A_1062 : vector<16xf32>
      %max3A_1065 = arith.maximumf %max3A_1044, %min3A_1064 : vector<16xf32>
      %min3A_1066 = arith.minimumf %max3A_1044, %min3A_1064 : vector<16xf32>
      %max3A_1067 = arith.maximumf %max3A_1046, %min3A_1066 : vector<16xf32>
      %min3A_1068 = arith.minimumf %max3A_1046, %min3A_1066 : vector<16xf32>
      %max3A_1069 = arith.maximumf %max3A_1048, %min3A_1068 : vector<16xf32>
      %min3A_1070 = arith.minimumf %max3A_1048, %min3A_1068 : vector<16xf32>
      %max3A_1071 = arith.maximumf %max3A_1050, %min3A_1070 : vector<16xf32>
      %min3A_1072 = arith.minimumf %max3A_1050, %min3A_1070 : vector<16xf32>
      %get3A_1073 = arith.constant 50 : i32
      %get3A_1074 = arith.index_cast %get3A_1073 : i32 to index
      %get3A_1075 = arith.index_cast %mul3A_10 : i32 to index
      %get3A_1076 = tpu.vector_load %arg4[%get3A_1074, %get3A_1075] {strides = array<i32>} : memref<64x256xf32, #tpu.memory_space<vmem>>, vector<1x16xf32>,
      %get3A_1077 = vector.shape_cast %get3A_1076 : vector<1x16xf32> to vector<16xf32>
      %max3A_1078 = arith.maximumf %max3A_1057, %get3A_1077 : vector<16xf32>
      %min3A_1079 = arith.minimumf %max3A_1057, %get3A_1077 : vector<16xf32>
      %max3A_1080 = arith.maximumf %max3A_1059, %min3A_1079 : vector<16xf32>
      %min3A_1081 = arith.minimumf %max3A_1059, %min3A_1079 : vector<16xf32>
      %max3A_1082 = arith.maximumf %max3A_1061, %min3A_1081 : vector<16xf32>
      %min3A_1083 = arith.minimumf %max3A_1061, %min3A_1081 : vector<16xf32>
      %max3A_1084 = arith.maximumf %max3A_1063, %min3A_1083 : vector<16xf32>
      %min3A_1085 = arith.minimumf %max3A_1063, %min3A_1083 : vector<16xf32>
      %max3A_1086 = arith.maximumf %max3A_1065, %min3A_1085 : vector<16xf32>
      %min3A_1087 = arith.minimumf %max3A_1065, %min3A_1085 : vector<16xf32>
      %max3A_1088 = arith.maximumf %max3A_1067, %min3A_1087 : vector<16xf32>
      %min3A_1089 = arith.minimumf %max3A_1067, %min3A_1087 : vector<16xf32>
      %max3A_1090 = arith.maximumf %max3A_1069, %min3A_1089 : vector<16xf32>
      %min3A_1091 = arith.minimumf %max3A_1069, %min3A_1089 : vector<16xf32>
      %max3A_1092 = arith.maximumf %max3A_1071, %min3A_1091 : vector<16xf32>
      %min3A_1093 = arith.minimumf %max3A_1071, %min3A_1091 : vector<16xf32>
      %get3A_1094 = arith.constant 51 : i32
      %get3A_1095 = arith.index_cast %get3A_1094 : i32 to index
      %get3A_1096 = arith.index_cast %mul3A_10 : i32 to index
      %get3A_1097 = tpu.vector_load %arg4[%get3A_1095, %get3A_1096] {strides = array<i32>} : memref<64x256xf32, #tpu.memory_space<vmem>>, vector<1x16xf32>,
      %get3A_1098 = vector.shape_cast %get3A_1097 : vector<1x16xf32> to vector<16xf32>
      %max3A_1099 = arith.maximumf %max3A_1078, %get3A_1098 : vector<16xf32>
      %min3A_1100 = arith.minimumf %max3A_1078, %get3A_1098 : vector<16xf32>
      %max3A_1101 = arith.maximumf %max3A_1080, %min3A_1100 : vector<16xf32>
      %min3A_1102 = arith.minimumf %max3A_1080, %min3A_1100 : vector<16xf32>
      %max3A_1103 = arith.maximumf %max3A_1082, %min3A_1102 : vector<16xf32>
      %min3A_1104 = arith.minimumf %max3A_1082, %min3A_1102 : vector<16xf32>
      %max3A_1105 = arith.maximumf %max3A_1084, %min3A_1104 : vector<16xf32>
      %min3A_1106 = arith.minimumf %max3A_1084, %min3A_1104 : vector<16xf32>
      %max3A_1107 = arith.maximumf %max3A_1086, %min3A_1106 : vector<16xf32>
      %min3A_1108 = arith.minimumf %max3A_1086, %min3A_1106 : vector<16xf32>
      %max3A_1109 = arith.maximumf %max3A_1088, %min3A_1108 : vector<16xf32>
      %min3A_1110 = arith.minimumf %max3A_1088, %min3A_1108 : vector<16xf32>
      %max3A_1111 = arith.maximumf %max3A_1090, %min3A_1110 : vector<16xf32>
      %min3A_1112 = arith.minimumf %max3A_1090, %min3A_1110 : vector<16xf32>
      %max3A_1113 = arith.maximumf %max3A_1092, %min3A_1112 : vector<16xf32>
      %min3A_1114 = arith.minimumf %max3A_1092, %min3A_1112 : vector<16xf32>
      %get3A_1115 = arith.constant 52 : i32
      %get3A_1116 = arith.index_cast %get3A_1115 : i32 to index
      %get3A_1117 = arith.index_cast %mul3A_10 : i32 to index
      %get3A_1118 = tpu.vector_load %arg4[%get3A_1116, %get3A_1117] {strides = array<i32>} : memref<64x256xf32, #tpu.memory_space<vmem>>, vector<1x16xf32>,
      %get3A_1119 = vector.shape_cast %get3A_1118 : vector<1x16xf32> to vector<16xf32>
      %max3A_1120 = arith.maximumf %max3A_1099, %get3A_1119 : vector<16xf32>
      %min3A_1121 = arith.minimumf %max3A_1099, %get3A_1119 : vector<16xf32>
      %max3A_1122 = arith.maximumf %max3A_1101, %min3A_1121 : vector<16xf32>
      %min3A_1123 = arith.minimumf %max3A_1101, %min3A_1121 : vector<16xf32>
      %max3A_1124 = arith.maximumf %max3A_1103, %min3A_1123 : vector<16xf32>
      %min3A_1125 = arith.minimumf %max3A_1103, %min3A_1123 : vector<16xf32>
      %max3A_1126 = arith.maximumf %max3A_1105, %min3A_1125 : vector<16xf32>
      %min3A_1127 = arith.minimumf %max3A_1105, %min3A_1125 : vector<16xf32>
      %max3A_1128 = arith.maximumf %max3A_1107, %min3A_1127 : vector<16xf32>
      %min3A_1129 = arith.minimumf %max3A_1107, %min3A_1127 : vector<16xf32>
      %max3A_1130 = arith.maximumf %max3A_1109, %min3A_1129 : vector<16xf32>
      %min3A_1131 = arith.minimumf %max3A_1109, %min3A_1129 : vector<16xf32>
      %max3A_1132 = arith.maximumf %max3A_1111, %min3A_1131 : vector<16xf32>
      %min3A_1133 = arith.minimumf %max3A_1111, %min3A_1131 : vector<16xf32>
      %max3A_1134 = arith.maximumf %max3A_1113, %min3A_1133 : vector<16xf32>
      %min3A_1135 = arith.minimumf %max3A_1113, %min3A_1133 : vector<16xf32>
      %get3A_1136 = arith.constant 53 : i32
      %get3A_1137 = arith.index_cast %get3A_1136 : i32 to index
      %get3A_1138 = arith.index_cast %mul3A_10 : i32 to index
      %get3A_1139 = tpu.vector_load %arg4[%get3A_1137, %get3A_1138] {strides = array<i32>} : memref<64x256xf32, #tpu.memory_space<vmem>>, vector<1x16xf32>,
      %get3A_1140 = vector.shape_cast %get3A_1139 : vector<1x16xf32> to vector<16xf32>
      %max3A_1141 = arith.maximumf %max3A_1120, %get3A_1140 : vector<16xf32>
      %min3A_1142 = arith.minimumf %max3A_1120, %get3A_1140 : vector<16xf32>
      %max3A_1143 = arith.maximumf %max3A_1122, %min3A_1142 : vector<16xf32>
      %min3A_1144 = arith.minimumf %max3A_1122, %min3A_1142 : vector<16xf32>
      %max3A_1145 = arith.maximumf %max3A_1124, %min3A_1144 : vector<16xf32>
      %min3A_1146 = arith.minimumf %max3A_1124, %min3A_1144 : vector<16xf32>
      %max3A_1147 = arith.maximumf %max3A_1126, %min3A_1146 : vector<16xf32>
      %min3A_1148 = arith.minimumf %max3A_1126, %min3A_1146 : vector<16xf32>
      %max3A_1149 = arith.maximumf %max3A_1128, %min3A_1148 : vector<16xf32>
      %min3A_1150 = arith.minimumf %max3A_1128, %min3A_1148 : vector<16xf32>
      %max3A_1151 = arith.maximumf %max3A_1130, %min3A_1150 : vector<16xf32>
      %min3A_1152 = arith.minimumf %max3A_1130, %min3A_1150 : vector<16xf32>
      %max3A_1153 = arith.maximumf %max3A_1132, %min3A_1152 : vector<16xf32>
      %min3A_1154 = arith.minimumf %max3A_1132, %min3A_1152 : vector<16xf32>
      %max3A_1155 = arith.maximumf %max3A_1134, %min3A_1154 : vector<16xf32>
      %min3A_1156 = arith.minimumf %max3A_1134, %min3A_1154 : vector<16xf32>
      %get3A_1157 = arith.constant 54 : i32
      %get3A_1158 = arith.index_cast %get3A_1157 : i32 to index
      %get3A_1159 = arith.index_cast %mul3A_10 : i32 to index
      %get3A_1160 = tpu.vector_load %arg4[%get3A_1158, %get3A_1159] {strides = array<i32>} : memref<64x256xf32, #tpu.memory_space<vmem>>, vector<1x16xf32>,
      %get3A_1161 = vector.shape_cast %get3A_1160 : vector<1x16xf32> to vector<16xf32>
      %max3A_1162 = arith.maximumf %max3A_1141, %get3A_1161 : vector<16xf32>
      %min3A_1163 = arith.minimumf %max3A_1141, %get3A_1161 : vector<16xf32>
      %max3A_1164 = arith.maximumf %max3A_1143, %min3A_1163 : vector<16xf32>
      %min3A_1165 = arith.minimumf %max3A_1143, %min3A_1163 : vector<16xf32>
      %max3A_1166 = arith.maximumf %max3A_1145, %min3A_1165 : vector<16xf32>
      %min3A_1167 = arith.minimumf %max3A_1145, %min3A_1165 : vector<16xf32>
      %max3A_1168 = arith.maximumf %max3A_1147, %min3A_1167 : vector<16xf32>
      %min3A_1169 = arith.minimumf %max3A_1147, %min3A_1167 : vector<16xf32>
      %max3A_1170 = arith.maximumf %max3A_1149, %min3A_1169 : vector<16xf32>
      %min3A_1171 = arith.minimumf %max3A_1149, %min3A_1169 : vector<16xf32>
      %max3A_1172 = arith.maximumf %max3A_1151, %min3A_1171 : vector<16xf32>
      %min3A_1173 = arith.minimumf %max3A_1151, %min3A_1171 : vector<16xf32>
      %max3A_1174 = arith.maximumf %max3A_1153, %min3A_1173 : vector<16xf32>
      %min3A_1175 = arith.minimumf %max3A_1153, %min3A_1173 : vector<16xf32>
      %max3A_1176 = arith.maximumf %max3A_1155, %min3A_1175 : vector<16xf32>
      %min3A_1177 = arith.minimumf %max3A_1155, %min3A_1175 : vector<16xf32>
      %get3A_1178 = arith.constant 55 : i32
      %get3A_1179 = arith.index_cast %get3A_1178 : i32 to index
      %get3A_1180 = arith.index_cast %mul3A_10 : i32 to index
      %get3A_1181 = tpu.vector_load %arg4[%get3A_1179, %get3A_1180] {strides = array<i32>} : memref<64x256xf32, #tpu.memory_space<vmem>>, vector<1x16xf32>,
      %get3A_1182 = vector.shape_cast %get3A_1181 : vector<1x16xf32> to vector<16xf32>
      %max3A_1183 = arith.maximumf %max3A_1162, %get3A_1182 : vector<16xf32>
      %min3A_1184 = arith.minimumf %max3A_1162, %get3A_1182 : vector<16xf32>
      %max3A_1185 = arith.maximumf %max3A_1164, %min3A_1184 : vector<16xf32>
      %min3A_1186 = arith.minimumf %max3A_1164, %min3A_1184 : vector<16xf32>
      %max3A_1187 = arith.maximumf %max3A_1166, %min3A_1186 : vector<16xf32>
      %min3A_1188 = arith.minimumf %max3A_1166, %min3A_1186 : vector<16xf32>
      %max3A_1189 = arith.maximumf %max3A_1168, %min3A_1188 : vector<16xf32>
      %min3A_1190 = arith.minimumf %max3A_1168, %min3A_1188 : vector<16xf32>
      %max3A_1191 = arith.maximumf %max3A_1170, %min3A_1190 : vector<16xf32>
      %min3A_1192 = arith.minimumf %max3A_1170, %min3A_1190 : vector<16xf32>
      %max3A_1193 = arith.maximumf %max3A_1172, %min3A_1192 : vector<16xf32>
      %min3A_1194 = arith.minimumf %max3A_1172, %min3A_1192 : vector<16xf32>
      %max3A_1195 = arith.maximumf %max3A_1174, %min3A_1194 : vector<16xf32>
      %min3A_1196 = arith.minimumf %max3A_1174, %min3A_1194 : vector<16xf32>
      %max3A_1197 = arith.maximumf %max3A_1176, %min3A_1196 : vector<16xf32>
      %min3A_1198 = arith.minimumf %max3A_1176, %min3A_1196 : vector<16xf32>
      %get3A_1199 = arith.constant 56 : i32
      %get3A_1200 = arith.index_cast %get3A_1199 : i32 to index
      %get3A_1201 = arith.index_cast %mul3A_10 : i32 to index
      %get3A_1202 = tpu.vector_load %arg4[%get3A_1200, %get3A_1201] {strides = array<i32>} : memref<64x256xf32, #tpu.memory_space<vmem>>, vector<1x16xf32>,
      %get3A_1203 = vector.shape_cast %get3A_1202 : vector<1x16xf32> to vector<16xf32>
      %max3A_1204 = arith.maximumf %max3A_1183, %get3A_1203 : vector<16xf32>
      %min3A_1205 = arith.minimumf %max3A_1183, %get3A_1203 : vector<16xf32>
      %max3A_1206 = arith.maximumf %max3A_1185, %min3A_1205 : vector<16xf32>
      %min3A_1207 = arith.minimumf %max3A_1185, %min3A_1205 : vector<16xf32>
      %max3A_1208 = arith.maximumf %max3A_1187, %min3A_1207 : vector<16xf32>
      %min3A_1209 = arith.minimumf %max3A_1187, %min3A_1207 : vector<16xf32>
      %max3A_1210 = arith.maximumf %max3A_1189, %min3A_1209 : vector<16xf32>
      %min3A_1211 = arith.minimumf %max3A_1189, %min3A_1209 : vector<16xf32>
      %max3A_1212 = arith.maximumf %max3A_1191, %min3A_1211 : vector<16xf32>
      %min3A_1213 = arith.minimumf %max3A_1191, %min3A_1211 : vector<16xf32>
      %max3A_1214 = arith.maximumf %max3A_1193, %min3A_1213 : vector<16xf32>
      %min3A_1215 = arith.minimumf %max3A_1193, %min3A_1213 : vector<16xf32>
      %max3A_1216 = arith.maximumf %max3A_1195, %min3A_1215 : vector<16xf32>
      %min3A_1217 = arith.minimumf %max3A_1195, %min3A_1215 : vector<16xf32>
      %max3A_1218 = arith.maximumf %max3A_1197, %min3A_1217 : vector<16xf32>
      %min3A_1219 = arith.minimumf %max3A_1197, %min3A_1217 : vector<16xf32>
      %get3A_1220 = arith.constant 57 : i32
      %get3A_1221 = arith.index_cast %get3A_1220 : i32 to index
      %get3A_1222 = arith.index_cast %mul3A_10 : i32 to index
      %get3A_1223 = tpu.vector_load %arg4[%get3A_1221, %get3A_1222] {strides = array<i32>} : memref<64x256xf32, #tpu.memory_space<vmem>>, vector<1x16xf32>,
      %get3A_1224 = vector.shape_cast %get3A_1223 : vector<1x16xf32> to vector<16xf32>
      %max3A_1225 = arith.maximumf %max3A_1204, %get3A_1224 : vector<16xf32>
      %min3A_1226 = arith.minimumf %max3A_1204, %get3A_1224 : vector<16xf32>
      %max3A_1227 = arith.maximumf %max3A_1206, %min3A_1226 : vector<16xf32>
      %min3A_1228 = arith.minimumf %max3A_1206, %min3A_1226 : vector<16xf32>
      %max3A_1229 = arith.maximumf %max3A_1208, %min3A_1228 : vector<16xf32>
      %min3A_1230 = arith.minimumf %max3A_1208, %min3A_1228 : vector<16xf32>
      %max3A_1231 = arith.maximumf %max3A_1210, %min3A_1230 : vector<16xf32>
      %min3A_1232 = arith.minimumf %max3A_1210, %min3A_1230 : vector<16xf32>
      %max3A_1233 = arith.maximumf %max3A_1212, %min3A_1232 : vector<16xf32>
      %min3A_1234 = arith.minimumf %max3A_1212, %min3A_1232 : vector<16xf32>
      %max3A_1235 = arith.maximumf %max3A_1214, %min3A_1234 : vector<16xf32>
      %min3A_1236 = arith.minimumf %max3A_1214, %min3A_1234 : vector<16xf32>
      %max3A_1237 = arith.maximumf %max3A_1216, %min3A_1236 : vector<16xf32>
      %min3A_1238 = arith.minimumf %max3A_1216, %min3A_1236 : vector<16xf32>
      %max3A_1239 = arith.maximumf %max3A_1218, %min3A_1238 : vector<16xf32>
      %min3A_1240 = arith.minimumf %max3A_1218, %min3A_1238 : vector<16xf32>
      %get3A_1241 = arith.constant 58 : i32
      %get3A_1242 = arith.index_cast %get3A_1241 : i32 to index
      %get3A_1243 = arith.index_cast %mul3A_10 : i32 to index
      %get3A_1244 = tpu.vector_load %arg4[%get3A_1242, %get3A_1243] {strides = array<i32>} : memref<64x256xf32, #tpu.memory_space<vmem>>, vector<1x16xf32>,
      %get3A_1245 = vector.shape_cast %get3A_1244 : vector<1x16xf32> to vector<16xf32>
      %max3A_1246 = arith.maximumf %max3A_1225, %get3A_1245 : vector<16xf32>
      %min3A_1247 = arith.minimumf %max3A_1225, %get3A_1245 : vector<16xf32>
      %max3A_1248 = arith.maximumf %max3A_1227, %min3A_1247 : vector<16xf32>
      %min3A_1249 = arith.minimumf %max3A_1227, %min3A_1247 : vector<16xf32>
      %max3A_1250 = arith.maximumf %max3A_1229, %min3A_1249 : vector<16xf32>
      %min3A_1251 = arith.minimumf %max3A_1229, %min3A_1249 : vector<16xf32>
      %max3A_1252 = arith.maximumf %max3A_1231, %min3A_1251 : vector<16xf32>
      %min3A_1253 = arith.minimumf %max3A_1231, %min3A_1251 : vector<16xf32>
      %max3A_1254 = arith.maximumf %max3A_1233, %min3A_1253 : vector<16xf32>
      %min3A_1255 = arith.minimumf %max3A_1233, %min3A_1253 : vector<16xf32>
      %max3A_1256 = arith.maximumf %max3A_1235, %min3A_1255 : vector<16xf32>
      %min3A_1257 = arith.minimumf %max3A_1235, %min3A_1255 : vector<16xf32>
      %max3A_1258 = arith.maximumf %max3A_1237, %min3A_1257 : vector<16xf32>
      %min3A_1259 = arith.minimumf %max3A_1237, %min3A_1257 : vector<16xf32>
      %max3A_1260 = arith.maximumf %max3A_1239, %min3A_1259 : vector<16xf32>
      %min3A_1261 = arith.minimumf %max3A_1239, %min3A_1259 : vector<16xf32>
      %get3A_1262 = arith.constant 59 : i32
      %get3A_1263 = arith.index_cast %get3A_1262 : i32 to index
      %get3A_1264 = arith.index_cast %mul3A_10 : i32 to index
      %get3A_1265 = tpu.vector_load %arg4[%get3A_1263, %get3A_1264] {strides = array<i32>} : memref<64x256xf32, #tpu.memory_space<vmem>>, vector<1x16xf32>,
      %get3A_1266 = vector.shape_cast %get3A_1265 : vector<1x16xf32> to vector<16xf32>
      %max3A_1267 = arith.maximumf %max3A_1246, %get3A_1266 : vector<16xf32>
      %min3A_1268 = arith.minimumf %max3A_1246, %get3A_1266 : vector<16xf32>
      %max3A_1269 = arith.maximumf %max3A_1248, %min3A_1268 : vector<16xf32>
      %min3A_1270 = arith.minimumf %max3A_1248, %min3A_1268 : vector<16xf32>
      %max3A_1271 = arith.maximumf %max3A_1250, %min3A_1270 : vector<16xf32>
      %min3A_1272 = arith.minimumf %max3A_1250, %min3A_1270 : vector<16xf32>
      %max3A_1273 = arith.maximumf %max3A_1252, %min3A_1272 : vector<16xf32>
      %min3A_1274 = arith.minimumf %max3A_1252, %min3A_1272 : vector<16xf32>
      %max3A_1275 = arith.maximumf %max3A_1254, %min3A_1274 : vector<16xf32>
      %min3A_1276 = arith.minimumf %max3A_1254, %min3A_1274 : vector<16xf32>
      %max3A_1277 = arith.maximumf %max3A_1256, %min3A_1276 : vector<16xf32>
      %min3A_1278 = arith.minimumf %max3A_1256, %min3A_1276 : vector<16xf32>
      %max3A_1279 = arith.maximumf %max3A_1258, %min3A_1278 : vector<16xf32>
      %min3A_1280 = arith.minimumf %max3A_1258, %min3A_1278 : vector<16xf32>
      %max3A_1281 = arith.maximumf %max3A_1260, %min3A_1280 : vector<16xf32>
      %min3A_1282 = arith.minimumf %max3A_1260, %min3A_1280 : vector<16xf32>
      %get3A_1283 = arith.constant 60 : i32
      %get3A_1284 = arith.index_cast %get3A_1283 : i32 to index
      %get3A_1285 = arith.index_cast %mul3A_10 : i32 to index
      %get3A_1286 = tpu.vector_load %arg4[%get3A_1284, %get3A_1285] {strides = array<i32>} : memref<64x256xf32, #tpu.memory_space<vmem>>, vector<1x16xf32>,
      %get3A_1287 = vector.shape_cast %get3A_1286 : vector<1x16xf32> to vector<16xf32>
      %max3A_1288 = arith.maximumf %max3A_1267, %get3A_1287 : vector<16xf32>
      %min3A_1289 = arith.minimumf %max3A_1267, %get3A_1287 : vector<16xf32>
      %max3A_1290 = arith.maximumf %max3A_1269, %min3A_1289 : vector<16xf32>
      %min3A_1291 = arith.minimumf %max3A_1269, %min3A_1289 : vector<16xf32>
      %max3A_1292 = arith.maximumf %max3A_1271, %min3A_1291 : vector<16xf32>
      %min3A_1293 = arith.minimumf %max3A_1271, %min3A_1291 : vector<16xf32>
      %max3A_1294 = arith.maximumf %max3A_1273, %min3A_1293 : vector<16xf32>
      %min3A_1295 = arith.minimumf %max3A_1273, %min3A_1293 : vector<16xf32>
      %max3A_1296 = arith.maximumf %max3A_1275, %min3A_1295 : vector<16xf32>
      %min3A_1297 = arith.minimumf %max3A_1275, %min3A_1295 : vector<16xf32>
      %max3A_1298 = arith.maximumf %max3A_1277, %min3A_1297 : vector<16xf32>
      %min3A_1299 = arith.minimumf %max3A_1277, %min3A_1297 : vector<16xf32>
      %max3A_1300 = arith.maximumf %max3A_1279, %min3A_1299 : vector<16xf32>
      %min3A_1301 = arith.minimumf %max3A_1279, %min3A_1299 : vector<16xf32>
      %max3A_1302 = arith.maximumf %max3A_1281, %min3A_1301 : vector<16xf32>
      %min3A_1303 = arith.minimumf %max3A_1281, %min3A_1301 : vector<16xf32>
      %get3A_1304 = arith.constant 61 : i32
      %get3A_1305 = arith.index_cast %get3A_1304 : i32 to index
      %get3A_1306 = arith.index_cast %mul3A_10 : i32 to index
      %get3A_1307 = tpu.vector_load %arg4[%get3A_1305, %get3A_1306] {strides = array<i32>} : memref<64x256xf32, #tpu.memory_space<vmem>>, vector<1x16xf32>,
      %get3A_1308 = vector.shape_cast %get3A_1307 : vector<1x16xf32> to vector<16xf32>
      %max3A_1309 = arith.maximumf %max3A_1288, %get3A_1308 : vector<16xf32>
      %min3A_1310 = arith.minimumf %max3A_1288, %get3A_1308 : vector<16xf32>
      %max3A_1311 = arith.maximumf %max3A_1290, %min3A_1310 : vector<16xf32>
      %min3A_1312 = arith.minimumf %max3A_1290, %min3A_1310 : vector<16xf32>
      %max3A_1313 = arith.maximumf %max3A_1292, %min3A_1312 : vector<16xf32>
      %min3A_1314 = arith.minimumf %max3A_1292, %min3A_1312 : vector<16xf32>
      %max3A_1315 = arith.maximumf %max3A_1294, %min3A_1314 : vector<16xf32>
      %min3A_1316 = arith.minimumf %max3A_1294, %min3A_1314 : vector<16xf32>
      %max3A_1317 = arith.maximumf %max3A_1296, %min3A_1316 : vector<16xf32>
      %min3A_1318 = arith.minimumf %max3A_1296, %min3A_1316 : vector<16xf32>
      %max3A_1319 = arith.maximumf %max3A_1298, %min3A_1318 : vector<16xf32>
      %min3A_1320 = arith.minimumf %max3A_1298, %min3A_1318 : vector<16xf32>
      %max3A_1321 = arith.maximumf %max3A_1300, %min3A_1320 : vector<16xf32>
      %min3A_1322 = arith.minimumf %max3A_1300, %min3A_1320 : vector<16xf32>
      %max3A_1323 = arith.maximumf %max3A_1302, %min3A_1322 : vector<16xf32>
      %min3A_1324 = arith.minimumf %max3A_1302, %min3A_1322 : vector<16xf32>
      %get3A_1325 = arith.constant 62 : i32
      %get3A_1326 = arith.index_cast %get3A_1325 : i32 to index
      %get3A_1327 = arith.index_cast %mul3A_10 : i32 to index
      %get3A_1328 = tpu.vector_load %arg4[%get3A_1326, %get3A_1327] {strides = array<i32>} : memref<64x256xf32, #tpu.memory_space<vmem>>, vector<1x16xf32>,
      %get3A_1329 = vector.shape_cast %get3A_1328 : vector<1x16xf32> to vector<16xf32>
      %max3A_1330 = arith.maximumf %max3A_1309, %get3A_1329 : vector<16xf32>
      %min3A_1331 = arith.minimumf %max3A_1309, %get3A_1329 : vector<16xf32>
      %max3A_1332 = arith.maximumf %max3A_1311, %min3A_1331 : vector<16xf32>
      %min3A_1333 = arith.minimumf %max3A_1311, %min3A_1331 : vector<16xf32>
      %max3A_1334 = arith.maximumf %max3A_1313, %min3A_1333 : vector<16xf32>
      %min3A_1335 = arith.minimumf %max3A_1313, %min3A_1333 : vector<16xf32>
      %max3A_1336 = arith.maximumf %max3A_1315, %min3A_1335 : vector<16xf32>
      %min3A_1337 = arith.minimumf %max3A_1315, %min3A_1335 : vector<16xf32>
      %max3A_1338 = arith.maximumf %max3A_1317, %min3A_1337 : vector<16xf32>
      %min3A_1339 = arith.minimumf %max3A_1317, %min3A_1337 : vector<16xf32>
      %max3A_1340 = arith.maximumf %max3A_1319, %min3A_1339 : vector<16xf32>
      %min3A_1341 = arith.minimumf %max3A_1319, %min3A_1339 : vector<16xf32>
      %max3A_1342 = arith.maximumf %max3A_1321, %min3A_1341 : vector<16xf32>
      %min3A_1343 = arith.minimumf %max3A_1321, %min3A_1341 : vector<16xf32>
      %max3A_1344 = arith.maximumf %max3A_1323, %min3A_1343 : vector<16xf32>
      %min3A_1345 = arith.minimumf %max3A_1323, %min3A_1343 : vector<16xf32>
      %get3A_1346 = arith.constant 63 : i32
      %get3A_1347 = arith.index_cast %get3A_1346 : i32 to index
      %get3A_1348 = arith.index_cast %mul3A_10 : i32 to index
      %get3A_1349 = tpu.vector_load %arg4[%get3A_1347, %get3A_1348] {strides = array<i32>} : memref<64x256xf32, #tpu.memory_space<vmem>>, vector<1x16xf32>,
      %get3A_1350 = vector.shape_cast %get3A_1349 : vector<1x16xf32> to vector<16xf32>
      %max3A_1351 = arith.maximumf %max3A_1330, %get3A_1350 : vector<16xf32>
      %min3A_1352 = arith.minimumf %max3A_1330, %get3A_1350 : vector<16xf32>
      %max3A_1353 = arith.maximumf %max3A_1332, %min3A_1352 : vector<16xf32>
      %min3A_1354 = arith.minimumf %max3A_1332, %min3A_1352 : vector<16xf32>
      %max3A_1355 = arith.maximumf %max3A_1334, %min3A_1354 : vector<16xf32>
      %min3A_1356 = arith.minimumf %max3A_1334, %min3A_1354 : vector<16xf32>
      %max3A_1357 = arith.maximumf %max3A_1336, %min3A_1356 : vector<16xf32>
      %min3A_1358 = arith.minimumf %max3A_1336, %min3A_1356 : vector<16xf32>
      %max3A_1359 = arith.maximumf %max3A_1338, %min3A_1358 : vector<16xf32>
      %min3A_1360 = arith.minimumf %max3A_1338, %min3A_1358 : vector<16xf32>
      %max3A_1361 = arith.maximumf %max3A_1340, %min3A_1360 : vector<16xf32>
      %min3A_1362 = arith.minimumf %max3A_1340, %min3A_1360 : vector<16xf32>
      %max3A_1363 = arith.maximumf %max3A_1342, %min3A_1362 : vector<16xf32>
      %min3A_1364 = arith.minimumf %max3A_1342, %min3A_1362 : vector<16xf32>
      %max3A_1365 = arith.maximumf %max3A_1344, %min3A_1364 : vector<16xf32>
      %min3A_1366 = arith.minimumf %max3A_1344, %min3A_1364 : vector<16xf32>
      %broadcast_in_dim3A_1367 = arith.constant 0.000000e+00 : f32
      %broadcast_in_dim3A_1368 = vector.broadcast %broadcast_in_dim3A_1367 : f32 to vector<16xf32>
      %broadcast_in_dim3A_1369 = arith.constant 0.000000e+00 : f32
      %broadcast_in_dim3A_1370 = vector.broadcast %broadcast_in_dim3A_1369 : f32 to vector<16xf32>
      %broadcast_in_dim3A_1371 = arith.constant 1.000000e+00 : f32
      %broadcast_in_dim3A_1372 = vector.broadcast %broadcast_in_dim3A_1371 : f32 to vector<16xf32>
      %broadcast_in_dim3A_1373 = arith.constant 0.000000e+00 : f32
      %broadcast_in_dim3A_1374 = vector.broadcast %broadcast_in_dim3A_1373 : f32 to vector<16xf32>
      %sub3A = arith.subf %max3A_1351, %max3A_1351 : vector<16xf32>
      %mul3A_1375 = arith.constant 1.000000e+00 : f32
      %mul3A_1376 = vector.broadcast %mul3A_1375 : f32 to vector<16xf32>
      %mul3A_1377 = arith.mulf %sub3A, %mul3A_1376 : vector<16xf32>
      %exp3A = math.exp %mul3A_1377 : vector<16xf32>
      %add3A_1378 = arith.addf %broadcast_in_dim3A_1368, %exp3A : vector<16xf32>
      %gt3A = arith.cmpf ogt, %max3A_1351, %max3A_1365 : vector<16xf32>
      %select_n3A = arith.select %gt3A, %broadcast_in_dim3A_1372, %broadcast_in_dim3A_1374 : vector<16xi1>, vector<16xf32>
      %add3A_1379 = arith.addf %broadcast_in_dim3A_1370, %select_n3A : vector<16xf32>
      %sub3A_1380 = arith.subf %max3A_1353, %max3A_1351 : vector<16xf32>
      %mul3A_1381 = arith.constant 1.000000e+00 : f32
      %mul3A_1382 = vector.broadcast %mul3A_1381 : f32 to vector<16xf32>
      %mul3A_1383 = arith.mulf %sub3A_1380, %mul3A_1382 : vector<16xf32>
      %exp3A_1384 = math.exp %mul3A_1383 : vector<16xf32>
      %add3A_1385 = arith.addf %add3A_1378, %exp3A_1384 : vector<16xf32>
      %gt3A_1386 = arith.cmpf ogt, %max3A_1353, %max3A_1365 : vector<16xf32>
      %select_n3A_1387 = arith.select %gt3A_1386, %broadcast_in_dim3A_1372, %broadcast_in_dim3A_1374 : vector<16xi1>, vector<16xf32>
      %add3A_1388 = arith.addf %add3A_1379, %select_n3A_1387 : vector<16xf32>
      %sub3A_1389 = arith.subf %max3A_1355, %max3A_1351 : vector<16xf32>
      %mul3A_1390 = arith.constant 1.000000e+00 : f32
      %mul3A_1391 = vector.broadcast %mul3A_1390 : f32 to vector<16xf32>
      %mul3A_1392 = arith.mulf %sub3A_1389, %mul3A_1391 : vector<16xf32>
      %exp3A_1393 = math.exp %mul3A_1392 : vector<16xf32>
      %add3A_1394 = arith.addf %add3A_1385, %exp3A_1393 : vector<16xf32>
      %gt3A_1395 = arith.cmpf ogt, %max3A_1355, %max3A_1365 : vector<16xf32>
      %select_n3A_1396 = arith.select %gt3A_1395, %broadcast_in_dim3A_1372, %broadcast_in_dim3A_1374 : vector<16xi1>, vector<16xf32>
      %add3A_1397 = arith.addf %add3A_1388, %select_n3A_1396 : vector<16xf32>
      %sub3A_1398 = arith.subf %max3A_1357, %max3A_1351 : vector<16xf32>
      %mul3A_1399 = arith.constant 1.000000e+00 : f32
      %mul3A_1400 = vector.broadcast %mul3A_1399 : f32 to vector<16xf32>
      %mul3A_1401 = arith.mulf %sub3A_1398, %mul3A_1400 : vector<16xf32>
      %exp3A_1402 = math.exp %mul3A_1401 : vector<16xf32>
      %add3A_1403 = arith.addf %add3A_1394, %exp3A_1402 : vector<16xf32>
      %gt3A_1404 = arith.cmpf ogt, %max3A_1357, %max3A_1365 : vector<16xf32>
      %select_n3A_1405 = arith.select %gt3A_1404, %broadcast_in_dim3A_1372, %broadcast_in_dim3A_1374 : vector<16xi1>, vector<16xf32>
      %add3A_1406 = arith.addf %add3A_1397, %select_n3A_1405 : vector<16xf32>
      %sub3A_1407 = arith.subf %max3A_1359, %max3A_1351 : vector<16xf32>
      %mul3A_1408 = arith.constant 1.000000e+00 : f32
      %mul3A_1409 = vector.broadcast %mul3A_1408 : f32 to vector<16xf32>
      %mul3A_1410 = arith.mulf %sub3A_1407, %mul3A_1409 : vector<16xf32>
      %exp3A_1411 = math.exp %mul3A_1410 : vector<16xf32>
      %add3A_1412 = arith.addf %add3A_1403, %exp3A_1411 : vector<16xf32>
      %gt3A_1413 = arith.cmpf ogt, %max3A_1359, %max3A_1365 : vector<16xf32>
      %select_n3A_1414 = arith.select %gt3A_1413, %broadcast_in_dim3A_1372, %broadcast_in_dim3A_1374 : vector<16xi1>, vector<16xf32>
      %add3A_1415 = arith.addf %add3A_1406, %select_n3A_1414 : vector<16xf32>
      %sub3A_1416 = arith.subf %max3A_1361, %max3A_1351 : vector<16xf32>
      %mul3A_1417 = arith.constant 1.000000e+00 : f32
      %mul3A_1418 = vector.broadcast %mul3A_1417 : f32 to vector<16xf32>
      %mul3A_1419 = arith.mulf %sub3A_1416, %mul3A_1418 : vector<16xf32>
      %exp3A_1420 = math.exp %mul3A_1419 : vector<16xf32>
      %add3A_1421 = arith.addf %add3A_1412, %exp3A_1420 : vector<16xf32>
      %gt3A_1422 = arith.cmpf ogt, %max3A_1361, %max3A_1365 : vector<16xf32>
      %select_n3A_1423 = arith.select %gt3A_1422, %broadcast_in_dim3A_1372, %broadcast_in_dim3A_1374 : vector<16xi1>, vector<16xf32>
      %add3A_1424 = arith.addf %add3A_1415, %select_n3A_1423 : vector<16xf32>
      %sub3A_1425 = arith.subf %max3A_1363, %max3A_1351 : vector<16xf32>
      %mul3A_1426 = arith.constant 1.000000e+00 : f32
      %mul3A_1427 = vector.broadcast %mul3A_1426 : f32 to vector<16xf32>
      %mul3A_1428 = arith.mulf %sub3A_1425, %mul3A_1427 : vector<16xf32>
      %exp3A_1429 = math.exp %mul3A_1428 : vector<16xf32>
      %add3A_1430 = arith.addf %add3A_1421, %exp3A_1429 : vector<16xf32>
      %gt3A_1431 = arith.cmpf ogt, %max3A_1363, %max3A_1365 : vector<16xf32>
      %select_n3A_1432 = arith.select %gt3A_1431, %broadcast_in_dim3A_1372, %broadcast_in_dim3A_1374 : vector<16xi1>, vector<16xf32>
      %add3A_1433 = arith.addf %add3A_1424, %select_n3A_1432 : vector<16xf32>
      %sub3A_1434 = arith.subf %max3A_1365, %max3A_1351 : vector<16xf32>
      %mul3A_1435 = arith.constant 1.000000e+00 : f32
      %mul3A_1436 = vector.broadcast %mul3A_1435 : f32 to vector<16xf32>
      %mul3A_1437 = arith.mulf %sub3A_1434, %mul3A_1436 : vector<16xf32>
      %exp3A_1438 = math.exp %mul3A_1437 : vector<16xf32>
      %add3A_1439 = arith.addf %add3A_1430, %exp3A_1438 : vector<16xf32>
      %gt3A_1440 = arith.cmpf ogt, %max3A_1365, %max3A_1365 : vector<16xf32>
      %select_n3A_1441 = arith.select %gt3A_1440, %broadcast_in_dim3A_1372, %broadcast_in_dim3A_1374 : vector<16xi1>, vector<16xf32>
      %add3A_1442 = arith.addf %add3A_1433, %select_n3A_1441 : vector<16xf32>
      %swap3A = arith.constant 0 : i32
      %swap3A_1443 = arith.index_cast %swap3A : i32 to index
      %swap3A_1444 = arith.index_cast %mul3A_10 : i32 to index
      %swap3A_1445 = tpu.vector_load %arg5[%swap3A_1443, %swap3A_1444] {strides = array<i32>} : memref<8x256xf32, #tpu.memory_space<vmem>>, vector<1x16xf32>,
      %swap3A_1446 = vector.shape_cast %swap3A_1445 : vector<1x16xf32> to vector<16xf32>
      %swap3A_1447 = vector.shape_cast %max3A_1365 : vector<16xf32> to vector<1x16xf32>
      tpu.vector_store %arg5[%swap3A_1443, %swap3A_1444], %swap3A_1447 {strides = array<i32>} : memref<8x256xf32, #tpu.memory_space<vmem>>, vector<1x16xf32>,
      %swap3A_1448 = arith.constant 1 : i32
      %swap3A_1449 = arith.index_cast %swap3A_1448 : i32 to index
      %swap3A_1450 = arith.index_cast %mul3A_10 : i32 to index
      %swap3A_1451 = tpu.vector_load %arg5[%swap3A_1449, %swap3A_1450] {strides = array<i32>} : memref<8x256xf32, #tpu.memory_space<vmem>>, vector<1x16xf32>,
      %swap3A_1452 = vector.shape_cast %swap3A_1451 : vector<1x16xf32> to vector<16xf32>
      %swap3A_1453 = vector.shape_cast %max3A_1351 : vector<16xf32> to vector<1x16xf32>
      tpu.vector_store %arg5[%swap3A_1449, %swap3A_1450], %swap3A_1453 {strides = array<i32>} : memref<8x256xf32, #tpu.memory_space<vmem>>, vector<1x16xf32>,
      %div3A = arith.constant 1.000000e+00 : f32
      %div3A_1454 = vector.broadcast %div3A : f32 to vector<16xf32>
      %div3A_1455 = arith.divf %div3A_1454, %add3A_1439 : vector<16xf32>
      %swap3A_1456 = arith.constant 2 : i32
      %swap3A_1457 = arith.index_cast %swap3A_1456 : i32 to index
      %swap3A_1458 = arith.index_cast %mul3A_10 : i32 to index
      %swap3A_1459 = tpu.vector_load %arg5[%swap3A_1457, %swap3A_1458] {strides = array<i32>} : memref<8x256xf32, #tpu.memory_space<vmem>>, vector<1x16xf32>,
      %swap3A_1460 = vector.shape_cast %swap3A_1459 : vector<1x16xf32> to vector<16xf32>
      %swap3A_1461 = vector.shape_cast %div3A_1455 : vector<16xf32> to vector<1x16xf32>
      tpu.vector_store %arg5[%swap3A_1457, %swap3A_1458], %swap3A_1461 {strides = array<i32>} : memref<8x256xf32, #tpu.memory_space<vmem>>, vector<1x16xf32>,
      %sub3A_1462 = arith.constant 8.000000e+00 : f32
      %sub3A_1463 = vector.broadcast %sub3A_1462 : f32 to vector<16xf32>
      %sub3A_1464 = arith.subf %sub3A_1463, %add3A_1442 : vector<16xf32>
      %swap3A_1465 = arith.constant 3 : i32
      %swap3A_1466 = arith.index_cast %swap3A_1465 : i32 to index
      %swap3A_1467 = arith.index_cast %mul3A_10 : i32 to index
      %swap3A_1468 = tpu.vector_load %arg5[%swap3A_1466, %swap3A_1467] {strides = array<i32>} : memref<8x256xf32, #tpu.memory_space<vmem>>, vector<1x16xf32>,
      %swap3A_1469 = vector.shape_cast %swap3A_1468 : vector<1x16xf32> to vector<16xf32>
      %swap3A_1470 = vector.shape_cast %sub3A_1464 : vector<16xf32> to vector<1x16xf32>
      tpu.vector_store %arg5[%swap3A_1466, %swap3A_1467], %swap3A_1470 {strides = array<i32>} : memref<8x256xf32, #tpu.memory_space<vmem>>, vector<1x16xf32>,
    }
    %scan3A_7 = arith.constant 16 : i32
    "tpu.region"() ({
      %run_scoped3A = tpu.sem_alloc : memref<!tpu.dma_semaphore, #tpu.memory_space<semaphore_mem>>
      %dma_start3A = arith.constant 0 : i32
      %dma_start3A_8 = tpu.memref_slice %arg3[%dma_start3A, %mul3A_2] : memref<8x8192xf32, #tpu.memory_space<hbm>> -> memref<8x256xf32, #tpu.memory_space<hbm>>
      %dma_start3A_9 = arith.constant 0 : i32
      %dma_start3A_10 = tpu.memref_slice %arg3[%dma_start3A_9, %mul3A_2] : memref<8x8192xf32, #tpu.memory_space<hbm>> -> memref<8x256xf32, #tpu.memory_space<hbm>>
      tpu.enqueue_dma source(%arg5 : memref<8x256xf32, #tpu.memory_space<vmem>>) target(%dma_start3A_10 : memref<8x256xf32, #tpu.memory_space<hbm>>) target_semaphore(%run_scoped3A : memref<!tpu.dma_semaphore, #tpu.memory_space<semaphore_mem>>)
      %dma_wait3A = arith.constant 0 : i32
      %dma_wait3A_11 = tpu.memref_slice %arg3[%dma_wait3A, %mul3A_2] : memref<8x8192xf32, #tpu.memory_space<hbm>> -> memref<8x256xf32, #tpu.memory_space<hbm>>
      %dma_wait3A_12 = arith.constant 0 : i32
      %dma_wait3A_13 = tpu.memref_slice %arg3[%dma_wait3A_12, %mul3A_2] : memref<8x8192xf32, #tpu.memory_space<hbm>> -> memref<8x256xf32, #tpu.memory_space<hbm>>
      tpu.wait_dma2 semaphore(%run_scoped3A : memref<!tpu.dma_semaphore, #tpu.memory_space<semaphore_mem>>) src(%arg5 : memref<8x256xf32, #tpu.memory_space<vmem>>) dst(%dma_wait3A_13 : memref<8x256xf32, #tpu.memory_space<hbm>>)
      tpu.yield
    }) : () -> ()
    return
  }
}

module attributes {stable_mosaic.version = 14 : i64} {
  func.func @_out_body(%arg0: i32, %arg1: memref<8x512xf32, #tpu.memory_space<vmem>>, %arg2: memref<64x512xf32, #tpu.memory_space<vmem>>, %arg3: memref<64x4096xf32, #tpu.memory_space<vmem>>, %arg4: memref<512x4096xf32, #tpu.memory_space<vmem>>) attributes {dimension_semantics = [#tpu.dimension_semantics<arbitrary>], iteration_bounds = array<i64: 16>, scalar_prefetch = 0 : i64, scratch_operands = 0 : i64, tpu.core_type = #tpu.core_type<tc>, window_params = [{transform_indices = @transform_0, window_bounds = array<i64: 8, 512>}, {transform_indices = @transform_1, window_bounds = array<i64: 64, 512>}, {pipeline_mode = #tpu.pipeline_mode<synchronous>, transform_indices = @transform_2, window_bounds = array<i64: 64, 4096>}, {transform_indices = @transform_3, window_bounds = array<i64: 512, 4096>}]} {
    %get3A = arith.constant 0 : index
    %get3A_0 = arith.constant 0 : index
    %get3A_1 = vector.load %arg1[%get3A, %get3A_0] : memref<8x512xf32, #tpu.memory_space<vmem>>, vector<8x512xf32>
    %slice3A = vector.extract_strided_slice %get3A_1 {offsets = [0, 0], sizes = [1, 512], strides = [1, 1]} : vector<8x512xf32> to vector<1x512xf32>
    %slice3A_2 = vector.extract_strided_slice %get3A_1 {offsets = [1, 0], sizes = [1, 512], strides = [1, 1]} : vector<8x512xf32> to vector<1x512xf32>
    %slice3A_3 = vector.extract_strided_slice %get3A_1 {offsets = [2, 0], sizes = [1, 512], strides = [1, 1]} : vector<8x512xf32> to vector<1x512xf32>
    %slice3A_4 = vector.extract_strided_slice %get3A_1 {offsets = [3, 0], sizes = [1, 512], strides = [1, 1]} : vector<8x512xf32> to vector<1x512xf32>
    %get3A_5 = arith.constant 0 : index
    %get3A_6 = arith.constant 0 : index
    %get3A_7 = vector.load %arg2[%get3A_5, %get3A_6] : memref<64x512xf32, #tpu.memory_space<vmem>>, vector<64x512xf32>
    %gt3A = vector.broadcast %slice3A : vector<1x512xf32> to vector<64x512xf32>
    %gt3A_8 = arith.cmpf ogt, %get3A_7, %gt3A : vector<64x512xf32>
    %eq3A = vector.broadcast %slice3A : vector<1x512xf32> to vector<64x512xf32>
    %eq3A_9 = arith.cmpf oeq, %get3A_7, %eq3A : vector<64x512xf32>
    %jit3A = arith.constant 1.000000e+00 : f32
    %jit3A_10 = arith.constant 0.000000e+00 : f32
    %broadcast_in_dim3A = vector.broadcast %jit3A : f32 to vector<64x512xf32>
    %broadcast_in_dim3A_11 = vector.broadcast %jit3A_10 : f32 to vector<64x512xf32>
    %select_n3A = arith.select %eq3A_9, %broadcast_in_dim3A, %broadcast_in_dim3A_11 : vector<64x512xi1>, vector<64x512xf32>
    %broadcast_in_dim3A_12 = arith.constant 0.000000e+00 : f32
    %broadcast_in_dim3A_13 = vector.broadcast %broadcast_in_dim3A_12 : f32 to vector<1x512xf32>
    %slice3A_14 = vector.extract_strided_slice %select_n3A {offsets = [0, 0], sizes = [63, 512], strides = [1, 1]} : vector<64x512xf32> to vector<63x512xf32>
    %concatenate3A = tpu.concatenate %broadcast_in_dim3A_13, %slice3A_14 in 0 : vector<1x512xf32>, vector<63x512xf32> -> vector<64x512xf32>
    %add3A = arith.addf %select_n3A, %concatenate3A : vector<64x512xf32>
    %broadcast_in_dim3A_15 = arith.constant 0.000000e+00 : f32
    %broadcast_in_dim3A_16 = vector.broadcast %broadcast_in_dim3A_15 : f32 to vector<2x512xf32>
    %slice3A_17 = vector.extract_strided_slice %add3A {offsets = [0, 0], sizes = [62, 512], strides = [1, 1]} : vector<64x512xf32> to vector<62x512xf32>
    %concatenate3A_18 = tpu.concatenate %broadcast_in_dim3A_16, %slice3A_17 in 0 : vector<2x512xf32>, vector<62x512xf32> -> vector<64x512xf32>
    %add3A_19 = arith.addf %add3A, %concatenate3A_18 : vector<64x512xf32>
    %broadcast_in_dim3A_20 = arith.constant 0.000000e+00 : f32
    %broadcast_in_dim3A_21 = vector.broadcast %broadcast_in_dim3A_20 : f32 to vector<4x512xf32>
    %slice3A_22 = vector.extract_strided_slice %add3A_19 {offsets = [0, 0], sizes = [60, 512], strides = [1, 1]} : vector<64x512xf32> to vector<60x512xf32>
    %concatenate3A_23 = tpu.concatenate %broadcast_in_dim3A_21, %slice3A_22 in 0 : vector<4x512xf32>, vector<60x512xf32> -> vector<64x512xf32>
    %add3A_24 = arith.addf %add3A_19, %concatenate3A_23 : vector<64x512xf32>
    %broadcast_in_dim3A_25 = arith.constant 0.000000e+00 : f32
    %broadcast_in_dim3A_26 = vector.broadcast %broadcast_in_dim3A_25 : f32 to vector<8x512xf32>
    %slice3A_27 = vector.extract_strided_slice %add3A_24 {offsets = [0, 0], sizes = [56, 512], strides = [1, 1]} : vector<64x512xf32> to vector<56x512xf32>
    %concatenate3A_28 = tpu.concatenate %broadcast_in_dim3A_26, %slice3A_27 in 0 : vector<8x512xf32>, vector<56x512xf32> -> vector<64x512xf32>
    %add3A_29 = arith.addf %add3A_24, %concatenate3A_28 : vector<64x512xf32>
    %broadcast_in_dim3A_30 = arith.constant 0.000000e+00 : f32
    %broadcast_in_dim3A_31 = vector.broadcast %broadcast_in_dim3A_30 : f32 to vector<16x512xf32>
    %slice3A_32 = vector.extract_strided_slice %add3A_29 {offsets = [0, 0], sizes = [48, 512], strides = [1, 1]} : vector<64x512xf32> to vector<48x512xf32>
    %concatenate3A_33 = tpu.concatenate %broadcast_in_dim3A_31, %slice3A_32 in 0 : vector<16x512xf32>, vector<48x512xf32> -> vector<64x512xf32>
    %add3A_34 = arith.addf %add3A_29, %concatenate3A_33 : vector<64x512xf32>
    %broadcast_in_dim3A_35 = arith.constant 0.000000e+00 : f32
    %broadcast_in_dim3A_36 = vector.broadcast %broadcast_in_dim3A_35 : f32 to vector<32x512xf32>
    %slice3A_37 = vector.extract_strided_slice %add3A_34 {offsets = [0, 0], sizes = [32, 512], strides = [1, 1]} : vector<64x512xf32> to vector<32x512xf32>
    %concatenate3A_38 = tpu.concatenate %broadcast_in_dim3A_36, %slice3A_37 in 0 : vector<32x512xf32>, vector<32x512xf32> -> vector<64x512xf32>
    %add3A_39 = arith.addf %add3A_34, %concatenate3A_38 : vector<64x512xf32>
    %sub3A = arith.subf %add3A_39, %select_n3A : vector<64x512xf32>
    %lt3A = vector.broadcast %slice3A_4 : vector<1x512xf32> to vector<64x512xf32>
    %lt3A_40 = arith.cmpf olt, %sub3A, %lt3A : vector<64x512xf32>
    %and3A = arith.andi %eq3A_9, %lt3A_40 : vector<64x512xi1>
    %or3A = arith.ori %gt3A_8, %and3A : vector<64x512xi1>
    %sub3A_41 = vector.broadcast %slice3A_2 : vector<1x512xf32> to vector<64x512xf32>
    %sub3A_42 = arith.subf %get3A_7, %sub3A_41 : vector<64x512xf32>
    %mul3A = arith.constant 1.000000e+00 : f32
    %mul3A_43 = vector.broadcast %mul3A : f32 to vector<64x512xf32>
    %mul3A_44 = arith.mulf %sub3A_42, %mul3A_43 : vector<64x512xf32>
    %exp3A = math.exp %mul3A_44 : vector<64x512xf32>
    %mul3A_45 = vector.broadcast %slice3A_3 : vector<1x512xf32> to vector<64x512xf32>
    %mul3A_46 = arith.mulf %exp3A, %mul3A_45 : vector<64x512xf32>
    %jit3A_47 = arith.constant 0.000000e+00 : f32
    %broadcast_in_dim3A_48 = vector.broadcast %jit3A_47 : f32 to vector<64x512xf32>
    %select_n3A_49 = arith.select %or3A, %mul3A_46, %broadcast_in_dim3A_48 : vector<64x512xi1>, vector<64x512xf32>
    %get3A_50 = arith.constant 0 : index
    %get3A_51 = arith.constant 0 : index
    %get3A_52 = vector.load %arg3[%get3A_50, %get3A_51] : memref<64x4096xf32, #tpu.memory_space<vmem>>, vector<64x4096xf32>
    %dot_general3A = arith.constant dense<0.000000e+00> : vector<512x4096xf32>
    %dot_general3A_53 = tpu.matmul %select_n3A_49, %get3A_52, %dot_general3A {dimension_numbers = #tpu.dot_dimension_numbers<[0], [0], [1], [1], [0, 1, 1, 1], [], []>, transpose_lhs_hint = false} : vector<64x512xf32>, vector<64x4096xf32>, vector<512x4096xf32> -> vector<512x4096xf32>
    %swap3A = arith.constant 0 : index
    %swap3A_54 = arith.constant 0 : index
    %swap3A_55 = vector.load %arg4[%swap3A, %swap3A_54] : memref<512x4096xf32, #tpu.memory_space<vmem>>, vector<512x4096xf32>
    tpu.vector_store %arg4[%swap3A, %swap3A_54], %dot_general3A_53 {strides = array<i32>} : memref<512x4096xf32, #tpu.memory_space<vmem>>, vector<512x4096xf32>,
    return
  }
  func.func @transform_0(%arg0: i32) -> (i32, i32) {
    %c0_i32 = arith.constant 0 : i32
    %c0_i32_0 = arith.constant 0 : i32
    return %c0_i32, %arg0 : i32, i32
  }
  func.func @transform_1(%arg0: i32) -> (i32, i32) {
    %c0_i32 = arith.constant 0 : i32
    %c0_i32_0 = arith.constant 0 : i32
    return %c0_i32, %arg0 : i32, i32
  }
  func.func @transform_2(%arg0: i32) -> (i32, i32) {
    %c0_i32 = arith.constant 0 : i32
    %c0_i32_0 = arith.constant 0 : i32
    %c0_i32_1 = arith.constant 0 : i32
    return %c0_i32, %c0_i32_0 : i32, i32
  }
  func.func @transform_3(%arg0: i32) -> (i32, i32) {
    %c0_i32 = arith.constant 0 : i32
    %c0_i32_0 = arith.constant 0 : i32
    return %arg0, %c0_i32 : i32, i32
  }
}

module attributes {stable_mosaic.version = 14 : i64} {
  func.func @_sim_body(%arg0: i32, %arg1: memref<2048x1024xf32, #tpu.memory_space<vmem>>, %arg2: memref<64x1024xf32, #tpu.memory_space<vmem>>, %arg3: memref<64x2048xf32, #tpu.memory_space<vmem>>) attributes {dimension_semantics = [#tpu.dimension_semantics<arbitrary>], iteration_bounds = array<i64: 4>, scalar_prefetch = 0 : i64, scratch_operands = 0 : i64, tpu.core_type = #tpu.core_type<tc>, window_params = [{transform_indices = @transform_0, window_bounds = array<i64: 2048, 1024>}, {pipeline_mode = #tpu.pipeline_mode<synchronous>, transform_indices = @transform_1, window_bounds = array<i64: 64, 1024>}, {transform_indices = @transform_2, window_bounds = array<i64: 64, 2048>}]} {
    %get3A = arith.constant 0 : index
    %get3A_0 = arith.constant 0 : index
    %get3A_1 = vector.load %arg2[%get3A, %get3A_0] : memref<64x1024xf32, #tpu.memory_space<vmem>>, vector<64x1024xf32>
    %mul3A = arith.mulf %get3A_1, %get3A_1 : vector<64x1024xf32>
    %reduce_sum3A = arith.constant dense<0.000000e+00> : vector<64xf32>
    %reduce_sum3A_2 = vector.multi_reduction <add>, %mul3A, %reduce_sum3A [1] : vector<64x1024xf32> to vector<64xf32>
    %broadcast_in_dim3A = vector.shape_cast %reduce_sum3A_2 : vector<64xf32> to vector<64x1xf32>
    %sqrt3A = math.sqrt %broadcast_in_dim3A : vector<64x1xf32>
    %max3A = arith.constant 9.99999996E-13 : f32
    %max3A_3 = vector.broadcast %max3A : f32 to vector<64x1xf32>
    %max3A_4 = arith.maximumf %sqrt3A, %max3A_3 : vector<64x1xf32>
    %div3A = vector.broadcast %max3A_4 : vector<64x1xf32> to vector<64x1024xf32>
    %div3A_5 = arith.divf %get3A_1, %div3A : vector<64x1024xf32>
    %get3A_6 = arith.constant 0 : index
    %get3A_7 = arith.constant 0 : index
    %get3A_8 = vector.load %arg1[%get3A_6, %get3A_7] : memref<2048x1024xf32, #tpu.memory_space<vmem>>, vector<2048x1024xf32>
    %mul3A_9 = arith.mulf %get3A_8, %get3A_8 : vector<2048x1024xf32>
    %reduce_sum3A_10 = arith.constant dense<0.000000e+00> : vector<2048xf32>
    %reduce_sum3A_11 = vector.multi_reduction <add>, %mul3A_9, %reduce_sum3A_10 [1] : vector<2048x1024xf32> to vector<2048xf32>
    %broadcast_in_dim3A_12 = vector.shape_cast %reduce_sum3A_11 : vector<2048xf32> to vector<2048x1xf32>
    %sqrt3A_13 = math.sqrt %broadcast_in_dim3A_12 : vector<2048x1xf32>
    %max3A_14 = arith.constant 9.99999996E-13 : f32
    %max3A_15 = vector.broadcast %max3A_14 : f32 to vector<2048x1xf32>
    %max3A_16 = arith.maximumf %sqrt3A_13, %max3A_15 : vector<2048x1xf32>
    %div3A_17 = vector.broadcast %max3A_16 : vector<2048x1xf32> to vector<2048x1024xf32>
    %div3A_18 = arith.divf %get3A_8, %div3A_17 : vector<2048x1024xf32>
    %dot_general3A = arith.constant dense<0.000000e+00> : vector<64x2048xf32>
    %dot_general3A_19 = tpu.matmul %div3A_5, %div3A_18, %dot_general3A {dimension_numbers = #tpu.dot_dimension_numbers<[1], [1], [0], [0], [0, 0, 1, 0], [], []>, transpose_lhs_hint = false} : vector<64x1024xf32>, vector<2048x1024xf32>, vector<64x2048xf32> -> vector<64x2048xf32>
    %swap3A = arith.constant 0 : index
    %swap3A_20 = arith.constant 0 : index
    %swap3A_21 = vector.load %arg3[%swap3A, %swap3A_20] : memref<64x2048xf32, #tpu.memory_space<vmem>>, vector<64x2048xf32>
    tpu.vector_store %arg3[%swap3A, %swap3A_20], %dot_general3A_19 {strides = array<i32>} : memref<64x2048xf32, #tpu.memory_space<vmem>>, vector<64x2048xf32>,
    return
  }
  func.func @transform_0(%arg0: i32) -> (i32, i32) {
    %c0_i32 = arith.constant 0 : i32
    %c0_i32_0 = arith.constant 0 : i32
    return %arg0, %c0_i32 : i32, i32
  }
  func.func @transform_1(%arg0: i32) -> (i32, i32) {
    %c0_i32 = arith.constant 0 : i32
    %c0_i32_0 = arith.constant 0 : i32
    %c0_i32_1 = arith.constant 0 : i32
    return %c0_i32, %c0_i32_0 : i32, i32
  }
  func.func @transform_2(%arg0: i32) -> (i32, i32) {
    %c0_i32 = arith.constant 0 : i32
    %c0_i32_0 = arith.constant 0 : i32
    return %c0_i32, %arg0 : i32, i32
  }
}

</mosaic_0001>

<sc_bundles>
// kernel: kernel.5.cloned.1.call-start
scs
__scs_entry_jumppad:
0x0: {  	(pc) =	sbr.rel $0x88, $3  }
0x1: {  	(tag) =	ssettag $0x0;
	lr =	simm.s32 $0x1  }
0x2: {  	[smem:$0x3F9E] =	sst lr;
	_ =	strace $0xD0000000  }
0x3: {  	_ = 	snop  }
0x4: {  	_ = 	snop  }
0x5: {  	_ = 	snop  }
0x6: {  	_ = 	snop  }
0x7: {  	_ = 	snop  }
__scs_overlays_trampoline_lowered:
0x8: {  	[smem:$0x3FAD] =	sst s0  }
0x9: {  	[smem:$0x3FAE] =	sst s1  }
0xa: {  	[smem:$0x3FAF] =	sst s2  }
0xb: {  	[smem:$0x3FB0] =	sst s3  }
0xc: {  	[smem:$0x3FB1] =	sst s4  }
0xd: {  	[smem:$0x3FB2] =	sst s5  }
0xe: {  	[smem:$0x3FB3] =	sst s6  }
0xf: {  	[smem:$0x3FB4] =	sst s7  }
0x10: {  	[smem:$0x3FB5] =	sst s8  }
0x11: {  	[smem:$0x3FB6] =	sst s9;
	s0 =	simm.s32 @!p0 $0x0  }
0x12: {  	s1 =	sld [smem:$0x3F9C];
	s0 =	simm.s32 @p0 $0x1  }
0x13: {  	[smem:$0x3FB7] =	sst s0;
	s0 =	simm.s32 @!p1 $0x0  }
0x14: {  	s2 =	sld [smem:$0x3F9B];
	s0 =	simm.s32 @p1 $0x1  }
0x15: {  	[smem:$0x3FB8] =	sst s0;
	s0 =	simm.s32 @!p2 $0x0  }
0x16: {  	s3 =	sld [smem:$0x3FDB];
	s0 =	simm.s32 @p2 $0x1  }
0x17: {  	s4 =	simm.s32 $0x1BF5;
	[smem:$0x3FBA] =	sst s0  }
0x18: {  	s0 =	sld [smem:$0x3F9D];
	_ =	swait.ge [sflag:s4], $0x0  }
0x19: {  	s7 =	sld [smem:$0x3F9E]  }
0x1a: {  	s8 =	sadd.s32 $0xFFFFE003, lr  }
0x1b: {  	s9 =	sadd.s32 $0xFFFFFEF7, lr;
	s5 =	simm.s32 $0xFFFFFFFF;
	p2 =	slt.u32 s8, $0xFFFFF086  }
0x1c: {  	p1 =	slt.u32 s9, $0xF7A;
	s5 =	simm.s32 @!p2 $0x0  }
0x1d: {  	s5 =	simm.s32 @p1 $0x1;
	p0 =	seq.s32 s7, s2  }
0x1e: {  	s7 =	smul.u32 @!p0 $0xF7A, s2;
	p2 =	seq.s32 @!p0 s5, $0x0  }
0x1f: {  	s9 =	smul.u32 $0xF7A, s1;
	s8 =	simm.s32 @!p0 $0x1BF5;
	p2 =	por !p2, p0  }
0x20: {  	[sflag:s8] =	ssyncset.s32 @!p0 $0xFFFFF086;
	s6 =	sadd.s32 @!p0 s3, s7;
	s7 =	simm.s32 @!p0 $0x108  }
0x21: {  	s3 =	sadd.s32 s3, s9;
	s6 =	sadd.s32 @!p0 $0x88, s6;
	s7 =	simm.s32 @p2 $0x1082  }
0x22: {  	[simem:s7], [sflag:s8] =	dma.local @!p0 [hbm:s6], $0xF7A  }
0x23: {  	s9 =	sor.u32 $0xD0000000, s2;
	s6 =	simm.s32 $0x108;
	_ =	swait.ge @!p0 [sflag:s8], $0x0  }
0x24: {  	s3 =	sadd.s32 $0x88, s3;
	s6 =	simm.s32 @!p1 $0x1082;
	[sflag:s4] =	ssyncset.s32 $0xFFFFF086  }
0x25: {  	[simem:s6], [sflag:s4] =	dma.local [hbm:s3], $0xF7A  }
0x26: {  	[smem:$0x3F9E] =	sst s1;
	(tag) =	ssettag s2;
	_ =	strace s9  }
0x27: {  	s1 =	sld [smem:$0x3FAE]  }
0x28: {  	s2 =	sld [smem:$0x3FAF]  }
0x29: {  	s4 =	sld [smem:$0x3FB1]  }
0x2a: {  	p0 =	seq.s32 s5, $0x0;
	s5 =	sld [smem:$0x3FB2]  }
0x2b: {  	s6 =	sld [smem:$0x3FB3]  }
0x2c: {  	s7 =	sld [smem:$0x3FB4]  }
0x2d: {  	s3 =	simm.s32 $0x108;
	s8 =	sld [smem:$0x3FB5]  }
0x2e: {  	s3 =	simm.s32 @!p0 $0x1082;
	s9 =	sld [smem:$0x3FB6]  }
0x2f: {  	lr =	sadd.s32 s0, s3;
	s0 =	sld [smem:$0x3FAD]  }
0x30: {  	s3 =	sld [smem:$0x3FB0]  }
0x31: {  	[smem:$0x3FB9] =	sst s10  }
0x32: {  	s10 =	sld [smem:$0x3FB7];
	_ =	sdelay $0x3  }
0x33: {  	p0 =	seq.s32 s10, $0x1;
	s10 =	sld [smem:$0x3FB9];
	_ =	sdelay $0x3  }
0x34: {  	[smem:$0x3FB9] =	sst s10  }
0x35: {  	s10 =	sld [smem:$0x3FB8];
	_ =	sdelay $0x3  }
0x36: {  	p1 =	seq.s32 s10, $0x1;
	s10 =	sld [smem:$0x3FB9];
	_ =	sdelay $0x3  }
0x37: {  	[smem:$0x3FB9] =	sst s10  }
0x38: {  	s10 =	sld [smem:$0x3FBA]  }
0x39: {  	_ = 	snop;
	(pc) =	sbr.ind lr, $3  }
0x3a: {  	_ = 	snop  }
0x3b: {  	_ = 	snop  }
0x3c: {  	p2 =	seq.s32 s10, $0x1;
	s10 =	sld [smem:$0x3FB9]  }
0x3d: {  	_ =	shalt  }
0x3e: {  	_ =	shalt  }
0x3f: {  	_ =	shalt  }
0x40: {  	_ =	shalt  }
0x41: {  	_ =	shalt  }
0x42: {  	_ =	shalt  }
0x43: {  	_ =	shalt  }
0x44: {  	_ =	shalt  }
0x45: {  	_ =	shalt  }
0x46: {  	_ =	shalt  }
0x47: {  	_ =	shalt  }
0x48: {  	_ =	shalt  }
0x49: {  	_ =	shalt  }
0x4a: {  	_ =	shalt  }
0x4b: {  	_ =	shalt  }
0x4c: {  	_ =	shalt  }
0x4d: {  	_ =	shalt  }
0x4e: {  	_ =	shalt  }
0x4f: {  	_ =	shalt  }
0x50: {  	_ =	shalt  }
0x51: {  	_ =	shalt  }
0x52: {  	_ =	shalt  }
0x53: {  	_ =	shalt  }
0x54: {  	_ =	shalt  }
0x55: {  	_ =	shalt  }
0x56: {  	_ =	shalt  }
0x57: {  	_ =	shalt  }
0x58: {  	_ =	shalt  }
0x59: {  	_ =	shalt  }
0x5a: {  	_ =	shalt  }
0x5b: {  	_ =	shalt  }
0x5c: {  	_ =	shalt  }
0x5d: {  	_ =	shalt  }
0x5e: {  	_ =	shalt  }
0x5f: {  	_ =	shalt  }
0x60: {  	_ =	shalt  }
0x61: {  	_ =	shalt  }
0x62: {  	_ =	shalt  }
0x63: {  	_ =	shalt  }
0x64: {  	_ =	shalt  }
0x65: {  	_ =	shalt  }
0x66: {  	_ =	shalt  }
0x67: {  	_ =	shalt  }
0x68: {  	_ =	shalt  }
0x69: {  	_ =	shalt  }
0x6a: {  	_ =	shalt  }
0x6b: {  	_ =	shalt  }
0x6c: {  	_ =	shalt  }
0x6d: {  	_ =	shalt  }
0x6e: {  	_ =	shalt  }
0x6f: {  	_ =	shalt  }
0x70: {  	_ =	shalt  }
0x71: {  	_ =	shalt  }
0x72: {  	_ =	shalt  }
0x73: {  	_ =	shalt  }
0x74: {  	_ =	shalt  }
0x75: {  	_ =	shalt  }
0x76: {  	_ =	shalt  }
0x77: {  	_ =	shalt  }
0x78: {  	_ =	shalt  }
0x79: {  	_ =	shalt  }
0x7a: {  	_ =	shalt  }
0x7b: {  	_ =	shalt  }
0x7c: {  	_ =	shalt  }
0x7d: {  	_ =	shalt  }
0x7e: {  	_ =	shalt  }
0x7f: {  	_ =	shalt  }
0x80: {  	_ =	shalt  }
0x81: {  	_ =	shalt  }
0x82: {  	_ =	shalt  }
0x83: {  	_ =	shalt  }
0x84: {  	_ =	shalt  }
0x85: {  	_ =	shalt  }
0x86: {  	_ =	shalt  }
0x87: {  	_ =	shalt  }
.Lfunc_end0:
.L_simem_size_0:
called_computation_lowered:
.L_overlay_start_0:
0x88: {  	s2 =	sld [smem:$0x3FD9]  }
0x89: {  	s3 =	sld [smem:$0x3FFE];
	_ =	sdelay $0x1  }
0x8a: {  	s1 =	srdreg.scid  }
0x8b: {  	s0 =	sand.u32 $0x1, s1  }
0x8c: {  	s17 =	sshll.u32 s0, $0xA;
	s2 =	sadd.s32 s3, s2  }
0x8d: {  	s2 =	sadd.s32 s2, s17  }
0x8e: {  	[smem:$0x3FC5] =	sst s2  }
0x8f: {  	_ = 	snop  }
0x90: {  	s2 =	sld [smem:$0x3FD0];
	(tm) =	ssettm $0x1  }
0x91: {  	s18 =	sld [smem:$0x3FFB];
	_ =	sdelay $0x3  }
0x92: {  	_ =	strace s18  }
0x93: {  	s3 =	sld [smem:$0x3FFC];
	_ =	sdelay $0x3  }
0x94: {  	_ =	strace s3  }
0x95: {  	s3 =	sld [smem:$0x3FFD];
	_ =	sdelay $0x3  }
0x96: {  	_ =	strace s3  }
0x97: {  	_ =	strace $0x8FFFFFFF  }
0x98: {  	s19 =	sld [smem:$0x3FDB];
	_ =	sdelay $0x1  }
0x99: {  	s4 =	simm.s32 $_scs_section_size  }
0x9a: {  	s5 =	simm.s32 $_size__tile_overlayer_lowered;
	s6 =	simm.s32 $_tile_overlayer_lowered  }
0x9b: {  	s22 =	simm.s32 $0x1BFF;
	s21 =	sshll.u32 s6, $0x1;
	s3 =	sadd.s32 s4, s19  }
0x9c: {  	s7 =	simm.s32 $0x0;
	s20 =	sshll.u32 s5, $0x1;
	s5 =	sadd.s32 s21, s3  }
0x9d: {  	[timem:s7], [sflag:s22] =	dma.local [hbm:s5], s20  }
0x9e: {  	_ =	swait.ge [sflag:s22], s20  }
0x9f: {  	s4 =	ssub.s32 $0x0, s20;
	[sflag:s22] =	ssyncset.done $0x0  }
0xa0: {  	[sflag:s22] =	ssyncadd.s32 s4;
	_ =	sdelay $0x1  }
0xa1: {  	s23 =	simm.s32 $0x1B8B  }
0xa2: {  	_ =	swait.ge [sflag:s23], $0x1  }
0xa3: {  	[sflag:s23] =	ssyncset.done $0x0  }
0xa4: {  	s25 =	simm.s32 $0x1B8E;
	s24 =	sld [smem:$0x3FFE];
	[sflag:s23] =	ssyncadd.s32 $0xFFFFFFFF  }
0xa5: {  	s26 =	simm.s32 $execute0_lowered;
	[smem:$0x3FD2] =	sst s25  }
0xa6: {  	s5 =	sshll.u32 s26, $0x1;
	_ =	strace $0x80000046;
	[dreg:$0x1] =	wrdreg $0xFFFFFFFF  }
0xa7: {  	s28 =	simm.s32 $_size_execute0_lowered;
	s3 =	sadd.s32 s3, s5;
	[dreg:$0x0] =	wrdreg $0x0  }
0xa8: {  	s5 =	sshll.u32 s28, $0x1;
	[dreg:$0x2] =	wrdreg s3  }
0xa9: {  	[dreg:$0x3] =	wrdreg s5  }
0xaa: {  	[dreg:$0x4] =	wrdreg $0xC0  }
0xab: {  	_ =	task [dreg:s7], $0x5FFFF  }
0xac: {  	[dreg:$0x1] =	wrdreg $0xFFFFFFFF  }
0xad: {  	[dreg:$0x0] =	wrdreg $0x60  }
0xae: {  	[dreg:$0x2] =	wrdreg s2  }
0xaf: {  	[dreg:$0x3] =	wrdreg s24  }
0xb0: {  	[dreg:$0x4] =	wrdreg $0x9  }
0xb1: {  	_ =	task.clear_ibuf [dreg:s7], $0x5FFFF;
	_ =	strace $0x90000046  }
0xb2: {  	s29 =	simm.s32 $0x9;
	_ =	strace $0x80000048  }
0xb3: {  	_ =	swait.ge [sflag:s29], $0x1  }
0xb4: {  	[sflag:s29] =	ssyncadd.s32 $0xFFFFFFFF  }
0xb5: {  	_ =	strace $0x90000048  }
0xb6: {  	_ =	sfence  }
0xb7: {  	s30 =	sld [smem:$0x0];
	_ =	sdelay $0x2  }
0xb8: {  	s31 =	sshll.u32 s1, $0xD;
	s1 =	sshrl.u32 s1, $0x2  }
0xb9: {  	s3 =	sand.u32 $0x4000, s31;
	s1 =	sadd.s32 s1, s30  }
0xba: {  	s0 =	sor.u32 s3, s0;
	s1 =	sshll.u32 s1, $0x11  }
0xbb: {  	s0 =	sor.u32 s1, s0  }
0xbc: {  	s0 =	sadd.s32 $0x8F2B, s0  }
0xbd: {  	[sflag:s0] =	ssyncadd.remote.s32 $0x1  }
0xbe: {  	_ =	sfence.sel $0xFFFF  }
0xbf: {  	[dreg:$0x0] =	wrdreg $0xFFFFFFFF;
	(pc) =	sbr.abs _section_cstart, $3  }
0xc0: {  	[dreg:$0x1] =	wrdreg $0xFFFFFFFF  }
0xc1: {  	_ =	task.clear_ibuf [dreg:s7], $0x2FFFF;
	_ =	strace $0x9FFFFFFF  }
0xc2: {  	(tm) =	ssettm $0x7FFFFFFF  }
0xc3: {  	_ =	shalt  }
tec
execute0_lowered:
.L_overlay_start_1:
0x0: {  	(tag) =	ssettag $0x1  }
0x1: {  	s3 =	rddreg [dreg:$0x0]  }
0x2: {  	s4 =	rddreg [dreg:$0x1];
	s2 =	srdreg.scid  }
0x3: {  	s0 =	rddreg [dreg:$0x2];
	s1 =	stileid.u32;
	s8 =	simm.s32 $0x1  }
0x4: {  	s9 =	simm.s32 $0x4000;
	s10 =	simm.s32 $0x0;
	s5 =	sand.u32 $0x1, s2  }
0x5: {  	s2 =	simm.s32 $0x0;
	s6 =	sshll.u32 s1, $0x9;
	s7 =	sshll.u32 s5, $0x8  }
0x6: {  	[smem:$0x7FF] =	sst s2;
	s5 =	ssub.s32 $0x2, s5;
	s6 =	sor.u32 s7, s6  }
0x7: {  	_ =	strace $0x80000047;
	s31 =	sshrl.u32 s5, $0x1;
	s7 =	simm.s32 $0x10000  }
0x8: {  	s4 =	sadd.s32 s6, s4;
	s5 =	ssub.s32 s5, s31;
	s3 =	sadd.s32 s3, s6  }
0x9: {  	v0 =	vimm.f32 $0.0e+00;
	s6 =	simm.s32 $0x800;
	s4 =	sadd.s32 $0xC00, s4;
	s5 =	smax.u32 s5, $0x1  }
.LBB2_1:
0xa: {  	[tilespmem:s2], [sflag:$0x1] =	stream.strided.gather [hbm4b:s3+s6], $0x4000, s7, s6, $0x38;
	[tilespmem:$0x4800] =	vst v63  }
0xb: {  	_ =	swait.ge [sflag:s8], $0x4000  }
0xc: {  	[sflag:s8] =	ssyncset.done $0x0  }
0xd: {  	s11 =	simm.s32 $0x0;
	s12 =	simm.s32 $0x0;
	[sflag:s8] =	ssyncadd.s32 $0xFFFFC000  }
.LBB2_2:
0xe: {  	s14 =	sand.u32 $0xFFFFFC00, s11;
	s13 =	sand.u32 $0x70, s12;
	s15 =	sand.u32 $0x400, s11  }
0xf: {  	s13 =	sor.u32 s13, s15;
	s14 =	sadd.s32 s14, s12  }
0x10: {  	v1 =	vld [tilespmem:s13+$0x0];
	s31 =	sor.u32 $0x80, s14  }
0x11: {  	v2 =	vld [tilespmem:s31+$0x0]  }
0x12: {  	v3 =	vld [tilespmem:s13+$0x100]  }
0x13: {  	s14 =	sor.u32 $0x180, s14  }
0x14: {  	v4 =	vld [tilespmem:s14+$0x0];
	_ =	sdelay $0x1  }
0x15: {  	v8 =	vld [tilespmem:s13+$0x200];
	v5 =	vmin.f32 v1, $-Inf;
	v6 =	vmax.f32 v1, v2;
	v1 =	vmin.f32 v1, v2  }
0x16: {  	v2 =	vmax.f32 v5, v1;
	v1 =	vmin.f32 v5, v1;
	v7 =	vmin.f32 v6, v3  }
0x17: {  	v9 =	vld [tilespmem:s13+$0x280];
	v3 =	vmax.f32 v6, v3;
	v1 =	vmax.f32 v5, v1;
	v60 =	vmin.f32 v2, v7  }
0x18: {  	v2 =	vmax.f32 v2, v7;
	v62 =	vmin.f32 v3, v4;
	v3 =	vmax.f32 v3, v4  }
0x19: {  	v61 =	vmin.f32 v1, v60;
	v5 =	vmax.f32 v1, v60;
	v63 =	vmin.f32 v2, v62  }
0x1a: {  	v2 =	vmax.f32 v2, v62;
	v12 =	vmin.f32 v3, v8;
	v3 =	vmax.f32 v3, v8  }
0x1b: {  	v1 =	vmax.f32 v1, v61;
	v10 =	vmin.f32 v5, v63;
	v5 =	vmax.f32 v5, v63  }
0x1c: {  	v13 =	vmin.f32 v2, v12;
	v2 =	vmax.f32 v2, v12;
	v8 =	vmin.f32 v3, v9  }
0x1d: {  	v3 =	vmax.f32 v3, v9;
	v11 =	vmin.f32 v1, v10;
	v4 =	vmax.f32 v1, v10  }
0x1e: {  	s16 =	sor.u32 s11, s12;
	v14 =	vmin.f32 v5, v13;
	v5 =	vmax.f32 v5, v13;
	v10 =	vld [tilespmem:s13+$0x300];
	v1 =	vmax.f32 v1, v11  }
0x1f: {  	s16 =	sor.u32 $0x380, s16;
	v15 =	vmin.f32 v4, v14;
	v4 =	vmax.f32 v4, v14;
	v11 =	vmin.f32 v2, v8  }
0x20: {  	v20 =	vld [tilespmem:s16+$0x0];
	v2 =	vmax.f32 v2, v8;
	v16 =	vmin.f32 v1, v15;
	v17 =	vmin.f32 v5, v11  }
0x21: {  	v6 =	vmax.f32 v1, v15;
	v5 =	vmax.f32 v5, v11;
	v18 =	vmin.f32 v4, v17  }
0x22: {  	v12 =	vld [tilespmem:s13+$0x800];
	v1 =	vmax.f32 v1, v16;
	v4 =	vmax.f32 v4, v17;
	v19 =	vmin.f32 v6, v18  }
0x23: {  	v6 =	vmax.f32 v6, v18;
	v21 =	vmin.f32 v1, v19;
	v22 =	vmin.f32 v3, v10  }
0x24: {  	v7 =	vmax.f32 v1, v19;
	v3 =	vmax.f32 v3, v10;
	v1 =	vmax.f32 v1, v21  }
0x25: {  	v33 =	vld [tilespmem:s13+$0x880];
	v23 =	vmin.f32 v2, v22;
	v2 =	vmax.f32 v2, v22;
	v26 =	vmin.f32 v3, v20  }
0x26: {  	v3 =	vmax.f32 v3, v20;
	v24 =	vmin.f32 v5, v23;
	v5 =	vmax.f32 v5, v23  }
0x27: {  	v28 =	vmin.f32 v2, v26;
	v2 =	vmax.f32 v2, v26;
	v35 =	vmin.f32 v3, v12  }
0x28: {  	v42 =	vld [tilespmem:s13+$0x900];
	v3 =	vmax.f32 v3, v12;
	v25 =	vmax.f32 v4, v24;
	v4 =	vmin.f32 v4, v24  }
0x29: {  	v14 =	vmin.f32 v5, v28;
	v5 =	vmax.f32 v5, v28;
	v36 =	vmin.f32 v2, v35  }
0x2a: {  	v2 =	vmax.f32 v2, v35;
	v39 =	vmin.f32 v3, v33;
	v3 =	vmax.f32 v3, v33  }
0x2b: {  	v10 =	vmax.f32 v6, v4;
	v4 =	vmin.f32 v6, v4;
	v29 =	vmin.f32 v25, v14  }
0x2c: {  	v49 =	vld [tilespmem:s13+$0x980];
	v31 =	vmax.f32 v25, v14;
	v37 =	vmin.f32 v5, v36;
	v5 =	vmax.f32 v5, v36  }
0x2d: {  	v41 =	vmin.f32 v2, v39;
	v2 =	vmax.f32 v2, v39;
	v51 =	vmin.f32 v3, v42  }
0x2e: {  	v3 =	vmax.f32 v3, v42;
	v27 =	vmax.f32 v7, v4;
	v4 =	vmin.f32 v7, v4  }
0x2f: {  	v30 =	vmin.f32 v10, v29;
	v38 =	vmax.f32 v31, v37;
	v7 =	vmin.f32 v31, v37  }
0x30: {  	v57 =	vld [tilespmem:s13+$0xA00];
	v44 =	vmin.f32 v5, v41;
	v5 =	vmax.f32 v5, v41;
	v52 =	vmin.f32 v2, v51  }
0x31: {  	v2 =	vmax.f32 v2, v51;
	v55 =	vmin.f32 v3, v49;
	v3 =	vmax.f32 v3, v49  }
0x32: {  	v13 =	vmax.f32 v1, v4;
	v4 =	vmin.f32 v1, v4;
	v32 =	vmin.f32 v27, v30  }
0x33: {  	v6 =	vmax.f32 v27, v30;
	v45 =	vmin.f32 v38, v44;
	v47 =	vmax.f32 v38, v44  }
0x34: {  	v63 =	vld [tilespmem:s13+$0xA80];
	v53 =	vmin.f32 v5, v52;
	v5 =	vmax.f32 v5, v52;
	v56 =	vmin.f32 v2, v55  }
0x35: {  	v2 =	vmax.f32 v2, v55;
	v15 =	vmin.f32 v3, v57;
	v3 =	vmax.f32 v3, v57  }
0x36: {  	v1 =	vmax.f32 v1, v4;
	v4 =	vmax.f32 v10, v29;
	v34 =	vmin.f32 v13, v32  }
0x37: {  	v8 =	vmax.f32 v13, v32;
	v54 =	vmax.f32 v47, v53;
	v58 =	vmin.f32 v5, v56  }
0x38: {  	v21 =	vld [tilespmem:s13+$0xB00];
	v5 =	vmax.f32 v5, v56;
	v16 =	vmin.f32 v2, v15;
	v2 =	vmax.f32 v2, v15  }
0x39: {  	v19 =	vmin.f32 v3, v63;
	v3 =	vmax.f32 v3, v63;
	v1 =	vmax.f32 v1, v34  }
0x3a: {  	v11 =	vmax.f32 v4, v7;
	v4 =	vmin.f32 v4, v7;
	v7 =	vmin.f32 v47, v53  }
0x3b: {  	v59 =	vmin.f32 v54, v58;
	v61 =	vmax.f32 v54, v58;
	v17 =	vmin.f32 v5, v16  }
0x3c: {  	v5 =	vmax.f32 v5, v16;
	v20 =	vmin.f32 v2, v19;
	v2 =	vmax.f32 v2, v19  }
0x3d: {  	v29 =	vmin.f32 v3, v21;
	v3 =	vmax.f32 v3, v21;
	v40 =	vmax.f32 v6, v4  }
0x3e: {  	v4 =	vmin.f32 v6, v4;
	v46 =	vmin.f32 v11, v45;
	v18 =	vmax.f32 v61, v17  }
0x3f: {  	v27 =	vld [tilespmem:s13+$0xB80];
	v22 =	vmin.f32 v5, v20;
	v5 =	vmax.f32 v5, v20;
	v30 =	vmin.f32 v2, v29  }
0x40: {  	v2 =	vmax.f32 v2, v29;
	v43 =	vmax.f32 v8, v4;
	v4 =	vmin.f32 v8, v4  }
0x41: {  	v48 =	vmin.f32 v40, v46;
	v6 =	vmax.f32 v40, v46;
	v23 =	vmin.f32 v18, v22  }
0x42: {  	v35 =	vld [tilespmem:s13+$0x1000];
	v25 =	vmax.f32 v18, v22;
	v31 =	vmin.f32 v5, v30;
	v5 =	vmax.f32 v5, v30  }
0x43: {  	v1 =	vmax.f32 v1, v4;
	v4 =	vmax.f32 v11, v45;
	v50 =	vmin.f32 v43, v48  }
0x44: {  	v8 =	vmax.f32 v43, v48;
	v32 =	vmax.f32 v25, v31;
	v33 =	vmin.f32 v3, v27  }
0x45: {  	v41 =	vld [tilespmem:s13+$0x1080];
	v3 =	vmax.f32 v3, v27;
	v1 =	vmax.f32 v1, v50;
	v11 =	vmax.f32 v4, v7  }
0x46: {  	v4 =	vmin.f32 v4, v7;
	v7 =	vmin.f32 v61, v17;
	v34 =	vmin.f32 v2, v33  }
0x47: {  	v2 =	vmax.f32 v2, v33;
	v43 =	vmin.f32 v3, v35;
	v3 =	vmax.f32 v3, v35  }
0x48: {  	v12 =	vmax.f32 v6, v4;
	v4 =	vmin.f32 v6, v4;
	v60 =	vmin.f32 v11, v59  }
0x49: {  	v49 =	vld [tilespmem:s13+$0x1100];
	v36 =	vmin.f32 v5, v34;
	v5 =	vmax.f32 v5, v34;
	v44 =	vmin.f32 v2, v43  }
0x4a: {  	v2 =	vmax.f32 v2, v43;
	v47 =	vmin.f32 v3, v41;
	v3 =	vmax.f32 v3, v41  }
0x4b: {  	v14 =	vmax.f32 v8, v4;
	v4 =	vmin.f32 v8, v4;
	v62 =	vmin.f32 v12, v60  }
0x4c: {  	v6 =	vmax.f32 v12, v60;
	v37 =	vmin.f32 v32, v36;
	v39 =	vmax.f32 v32, v36  }
0x4d: {  	v55 =	vld [tilespmem:s13+$0x1180];
	v45 =	vmin.f32 v5, v44;
	v5 =	vmax.f32 v5, v44;
	v48 =	vmin.f32 v2, v47  }
0x4e: {  	v2 =	vmax.f32 v2, v47;
	v57 =	vmin.f32 v3, v49;
	v3 =	vmax.f32 v3, v49  }
0x4f: {  	v1 =	vmax.f32 v1, v4;
	v4 =	vmax.f32 v11, v59;
	v12 =	vmin.f32 v14, v62  }
0x50: {  	v8 =	vmax.f32 v14, v62;
	v46 =	vmax.f32 v39, v45;
	v50 =	vmin.f32 v5, v48  }
0x51: {  	v5 =	vmax.f32 v5, v48;
	v58 =	vmin.f32 v2, v57;
	v2 =	vmax.f32 v2, v57  }
0x52: {  	v61 =	vmin.f32 v3, v55;
	v3 =	vmax.f32 v3, v55;
	v1 =	vmax.f32 v1, v12  }
0x53: {  	v11 =	vmax.f32 v4, v7;
	v4 =	vmin.f32 v4, v7;
	v7 =	vmin.f32 v25, v31  }
0x54: {  	v51 =	vmin.f32 v46, v50;
	v53 =	vmax.f32 v46, v50;
	v59 =	vmin.f32 v5, v58  }
0x55: {  	v5 =	vmax.f32 v5, v58;
	v62 =	vmin.f32 v2, v61;
	v2 =	vmax.f32 v2, v61  }
0x56: {  	v63 =	vld [tilespmem:s13+$0x1200];
	v12 =	vmax.f32 v6, v4;
	v4 =	vmin.f32 v6, v4;
	v24 =	vmin.f32 v11, v23  }
0x57: {  	v60 =	vmax.f32 v53, v59;
	v16 =	vmin.f32 v5, v62;
	v5 =	vmax.f32 v5, v62  }
0x58: {  	v14 =	vmax.f32 v8, v4;
	v4 =	vmin.f32 v8, v4;
	v26 =	vmin.f32 v12, v24  }
0x59: {  	v21 =	vld [tilespmem:s13+$0x1280];
	v6 =	vmax.f32 v12, v24;
	v17 =	vmin.f32 v60, v16;
	v19 =	vmax.f32 v60, v16  }
0x5a: {  	v1 =	vmax.f32 v1, v4;
	v4 =	vmax.f32 v11, v23;
	v28 =	vmin.f32 v14, v26  }
0x5b: {  	v8 =	vmax.f32 v14, v26;
	v23 =	vmin.f32 v3, v63;
	v3 =	vmax.f32 v3, v63  }
0x5c: {  	v1 =	vmax.f32 v1, v28;
	v11 =	vmax.f32 v4, v7;
	v4 =	vmin.f32 v4, v7  }
0x5d: {  	v7 =	vmin.f32 v39, v45;
	v24 =	vmin.f32 v2, v23;
	v2 =	vmax.f32 v2, v23  }
0x5e: {  	v27 =	vmin.f32 v3, v21;
	v3 =	vmax.f32 v3, v21;
	v12 =	vmax.f32 v6, v4  }
0x5f: {  	v4 =	vmin.f32 v6, v4;
	v38 =	vmin.f32 v11, v37;
	v25 =	vmin.f32 v5, v24  }
0x60: {  	v29 =	vld [tilespmem:s13+$0x1300];
	v5 =	vmax.f32 v5, v24;
	v28 =	vmin.f32 v2, v27;
	v2 =	vmax.f32 v2, v27  }
0x61: {  	v14 =	vmax.f32 v8, v4;
	v4 =	vmin.f32 v8, v4;
	v40 =	vmin.f32 v12, v38  }
0x62: {  	v6 =	vmax.f32 v12, v38;
	v26 =	vmax.f32 v19, v25;
	v30 =	vmin.f32 v5, v28  }
0x63: {  	v35 =	vld [tilespmem:s13+$0x1380];
	v5 =	vmax.f32 v5, v28;
	v1 =	vmax.f32 v1, v4;
	v4 =	vmax.f32 v11, v37  }
0x64: {  	v42 =	vmin.f32 v14, v40;
	v8 =	vmax.f32 v14, v40;
	v31 =	vmin.f32 v26, v30  }
0x65: {  	v33 =	vmax.f32 v26, v30;
	v37 =	vmin.f32 v3, v29;
	v3 =	vmax.f32 v3, v29  }
0x66: {  	v1 =	vmax.f32 v1, v42;
	v11 =	vmax.f32 v4, v7;
	v4 =	vmin.f32 v4, v7  }
0x67: {  	v7 =	vmin.f32 v53, v59;
	v38 =	vmin.f32 v2, v37;
	v2 =	vmax.f32 v2, v37  }
0x68: {  	v41 =	vmin.f32 v3, v35;
	v3 =	vmax.f32 v3, v35;
	v12 =	vmax.f32 v6, v4  }
0x69: {  	v4 =	vmin.f32 v6, v4;
	v52 =	vmin.f32 v11, v51;
	v39 =	vmin.f32 v5, v38  }
0x6a: {  	v43 =	vld [tilespmem:s13+$0x1800];
	v5 =	vmax.f32 v5, v38;
	v42 =	vmin.f32 v2, v41;
	v2 =	vmax.f32 v2, v41  }
0x6b: {  	v14 =	vmax.f32 v8, v4;
	v4 =	vmin.f32 v8, v4;
	v54 =	vmin.f32 v12, v52  }
0x6c: {  	v6 =	vmax.f32 v12, v52;
	v40 =	vmax.f32 v33, v39;
	v44 =	vmin.f32 v5, v42  }
0x6d: {  	v49 =	vld [tilespmem:s13+$0x1880];
	v5 =	vmax.f32 v5, v42;
	v1 =	vmax.f32 v1, v4;
	v4 =	vmax.f32 v11, v51  }
0x6e: {  	v56 =	vmin.f32 v14, v54;
	v8 =	vmax.f32 v14, v54;
	v45 =	vmin.f32 v40, v44  }
0x6f: {  	v47 =	vmax.f32 v40, v44;
	v51 =	vmin.f32 v3, v43;
	v3 =	vmax.f32 v3, v43  }
0x70: {  	v57 =	vld [tilespmem:s13+$0x1900];
	v1 =	vmax.f32 v1, v56;
	v11 =	vmax.f32 v4, v7;
	v4 =	vmin.f32 v4, v7  }
0x71: {  	v7 =	vmin.f32 v19, v25;
	v52 =	vmin.f32 v2, v51;
	v2 =	vmax.f32 v2, v51  }
0x72: {  	v55 =	vmin.f32 v3, v49;
	v3 =	vmax.f32 v3, v49;
	v12 =	vmax.f32 v6, v4  }
0x73: {  	v63 =	vld [tilespmem:s13+$0x1980];
	v4 =	vmin.f32 v6, v4;
	v18 =	vmin.f32 v11, v17;
	v53 =	vmin.f32 v5, v52  }
0x74: {  	v5 =	vmax.f32 v5, v52;
	v56 =	vmin.f32 v2, v55;
	v2 =	vmax.f32 v2, v55  }
0x75: {  	v15 =	vmin.f32 v3, v57;
	v3 =	vmax.f32 v3, v57;
	v14 =	vmax.f32 v8, v4  }
0x76: {  	v4 =	vmin.f32 v8, v4;
	v20 =	vmin.f32 v12, v18;
	v6 =	vmax.f32 v12, v18  }
0x77: {  	v21 =	vld [tilespmem:s13+$0x1A00];
	v54 =	vmax.f32 v47, v53;
	v58 =	vmin.f32 v5, v56;
	v5 =	vmax.f32 v5, v56  }
0x78: {  	v16 =	vmin.f32 v2, v15;
	v2 =	vmax.f32 v2, v15;
	v19 =	vmin.f32 v3, v63  }
0x79: {  	v3 =	vmax.f32 v3, v63;
	v1 =	vmax.f32 v1, v4;
	v4 =	vmax.f32 v11, v17  }
0x7a: {  	v22 =	vmin.f32 v14, v20;
	v8 =	vmax.f32 v14, v20;
	v59 =	vmin.f32 v54, v58  }
0x7b: {  	v27 =	vld [tilespmem:s13+$0x1A80];
	v61 =	vmax.f32 v54, v58;
	v17 =	vmin.f32 v5, v16;
	v5 =	vmax.f32 v5, v16  }
0x7c: {  	v20 =	vmin.f32 v2, v19;
	v2 =	vmax.f32 v2, v19;
	v29 =	vmin.f32 v3, v21  }
0x7d: {  	v35 =	vld [tilespmem:s13+$0x1B00];
	v3 =	vmax.f32 v3, v21;
	v1 =	vmax.f32 v1, v22;
	v11 =	vmax.f32 v4, v7  }
0x7e: {  	v4 =	vmin.f32 v4, v7;
	v7 =	vmin.f32 v33, v39;
	v18 =	vmax.f32 v61, v17  }
0x7f: {  	v22 =	vmin.f32 v5, v20;
	v5 =	vmax.f32 v5, v20;
	v30 =	vmin.f32 v2, v29  }
0x80: {  	v2 =	vmax.f32 v2, v29;
	v33 =	vmin.f32 v3, v27;
	v3 =	vmax.f32 v3, v27  }
0x81: {  	v12 =	vmax.f32 v6, v4;
	v4 =	vmin.f32 v6, v4;
	v32 =	vmin.f32 v11, v31  }
0x82: {  	v23 =	vmin.f32 v18, v22;
	v25 =	vmax.f32 v18, v22;
	v43 =	vmin.f32 v3, v35  }
0x83: {  	v3 =	vmax.f32 v3, v35;
	v14 =	vmax.f32 v8, v4;
	v4 =	vmin.f32 v8, v4  }
0x84: {  	v34 =	vmin.f32 v12, v32;
	v6 =	vmax.f32 v12, v32;
	v1 =	vmax.f32 v1, v4  }
0x85: {  	v41 =	vld [tilespmem:s13+$0x1B80];
	v4 =	vmax.f32 v11, v31;
	v36 =	vmin.f32 v14, v34;
	v8 =	vmax.f32 v14, v34  }
0x86: {  	v31 =	vmin.f32 v5, v30;
	v5 =	vmax.f32 v5, v30;
	v34 =	vmin.f32 v2, v33  }
0x87: {  	v49 =	vld [tilespmem:s13+$0x2000];
	v2 =	vmax.f32 v2, v33;
	v1 =	vmax.f32 v1, v36;
	v11 =	vmax.f32 v4, v7  }
0x88: {  	v4 =	vmin.f32 v4, v7;
	v7 =	vmin.f32 v47, v53;
	v32 =	vmax.f32 v25, v31  }
0x89: {  	v36 =	vmin.f32 v5, v34;
	v5 =	vmax.f32 v5, v34;
	v44 =	vmin.f32 v2, v43  }
0x8a: {  	v2 =	vmax.f32 v2, v43;
	v47 =	vmin.f32 v3, v41;
	v3 =	vmax.f32 v3, v41  }
0x8b: {  	v12 =	vmax.f32 v6, v4;
	v4 =	vmin.f32 v6, v4;
	v46 =	vmin.f32 v11, v45  }
0x8c: {  	v37 =	vmin.f32 v32, v36;
	v39 =	vmax.f32 v32, v36;
	v57 =	vmin.f32 v3, v49  }
0x8d: {  	v3 =	vmax.f32 v3, v49;
	v14 =	vmax.f32 v8, v4;
	v4 =	vmin.f32 v8, v4  }
0x8e: {  	v48 =	vmin.f32 v12, v46;
	v6 =	vmax.f32 v12, v46;
	v1 =	vmax.f32 v1, v4  }
0x8f: {  	v55 =	vld [tilespmem:s13+$0x2080];
	v4 =	vmax.f32 v11, v45;
	v50 =	vmin.f32 v14, v48;
	v8 =	vmax.f32 v14, v48  }
0x90: {  	v45 =	vmin.f32 v5, v44;
	v5 =	vmax.f32 v5, v44;
	v48 =	vmin.f32 v2, v47  }
0x91: {  	v2 =	vmax.f32 v2, v47;
	v1 =	vmax.f32 v1, v50;
	v11 =	vmax.f32 v4, v7  }
0x92: {  	v4 =	vmin.f32 v4, v7;
	v7 =	vmin.f32 v61, v17;
	v46 =	vmax.f32 v39, v45  }
0x93: {  	v50 =	vmin.f32 v5, v48;
	v5 =	vmax.f32 v5, v48;
	v58 =	vmin.f32 v2, v57  }
0x94: {  	v2 =	vmax.f32 v2, v57;
	v61 =	vmin.f32 v3, v55;
	v3 =	vmax.f32 v3, v55  }
0x95: {  	v12 =	vmax.f32 v6, v4;
	v4 =	vmin.f32 v6, v4;
	v60 =	vmin.f32 v11, v59  }
0x96: {  	v51 =	vmin.f32 v46, v50;
	v53 =	vmax.f32 v46, v50;
	v14 =	vmax.f32 v8, v4  }
0x97: {  	v4 =	vmin.f32 v8, v4;
	v62 =	vmin.f32 v12, v60;
	v6 =	vmax.f32 v12, v60  }
0x98: {  	v1 =	vmax.f32 v1, v4;
	v4 =	vmax.f32 v11, v59;
	v12 =	vmin.f32 v14, v62  }
0x99: {  	v8 =	vmax.f32 v14, v62;
	v59 =	vmin.f32 v5, v58;
	v5 =	vmax.f32 v5, v58  }
0x9a: {  	v62 =	vmin.f32 v2, v61;
	v2 =	vmax.f32 v2, v61;
	v1 =	vmax.f32 v1, v12  }
0x9b: {  	v11 =	vmax.f32 v4, v7;
	v4 =	vmin.f32 v4, v7;
	v7 =	vmin.f32 v25, v31  }
0x9c: {  	v63 =	vld [tilespmem:s13+$0x2100];
	v60 =	vmax.f32 v53, v59;
	v16 =	vmin.f32 v5, v62;
	v5 =	vmax.f32 v5, v62  }
0x9d: {  	v12 =	vmax.f32 v6, v4;
	v4 =	vmin.f32 v6, v4;
	v24 =	vmin.f32 v11, v23  }
0x9e: {  	v17 =	vmin.f32 v60, v16;
	v19 =	vmax.f32 v60, v16;
	v14 =	vmax.f32 v8, v4  }
0x9f: {  	v21 =	vld [tilespmem:s13+$0x2180];
	v4 =	vmin.f32 v8, v4;
	v26 =	vmin.f32 v12, v24;
	v6 =	vmax.f32 v12, v24  }
0xa0: {  	v1 =	vmax.f32 v1, v4;
	v4 =	vmax.f32 v11, v23;
	v28 =	vmin.f32 v14, v26  }
0xa1: {  	v8 =	vmax.f32 v14, v26;
	v23 =	vmin.f32 v3, v63;
	v3 =	vmax.f32 v3, v63  }
0xa2: {  	v1 =	vmax.f32 v1, v28;
	v11 =	vmax.f32 v4, v7;
	v4 =	vmin.f32 v4, v7  }
0xa3: {  	v7 =	vmin.f32 v39, v45;
	v24 =	vmin.f32 v2, v23;
	v2 =	vmax.f32 v2, v23  }
0xa4: {  	v27 =	vmin.f32 v3, v21;
	v3 =	vmax.f32 v3, v21;
	v12 =	vmax.f32 v6, v4  }
0xa5: {  	v4 =	vmin.f32 v6, v4;
	v38 =	vmin.f32 v11, v37;
	v25 =	vmin.f32 v5, v24  }
0xa6: {  	v29 =	vld [tilespmem:s13+$0x2200];
	v5 =	vmax.f32 v5, v24;
	v28 =	vmin.f32 v2, v27;
	v2 =	vmax.f32 v2, v27  }
0xa7: {  	v14 =	vmax.f32 v8, v4;
	v4 =	vmin.f32 v8, v4;
	v40 =	vmin.f32 v12, v38  }
0xa8: {  	v6 =	vmax.f32 v12, v38;
	v26 =	vmax.f32 v19, v25;
	v30 =	vmin.f32 v5, v28  }
0xa9: {  	v35 =	vld [tilespmem:s13+$0x2280];
	v5 =	vmax.f32 v5, v28;
	v1 =	vmax.f32 v1, v4;
	v4 =	vmax.f32 v11, v37  }
0xaa: {  	v42 =	vmin.f32 v14, v40;
	v8 =	vmax.f32 v14, v40;
	v31 =	vmin.f32 v26, v30  }
0xab: {  	v33 =	vmax.f32 v26, v30;
	v37 =	vmin.f32 v3, v29;
	v3 =	vmax.f32 v3, v29  }
0xac: {  	v1 =	vmax.f32 v1, v42;
	v11 =	vmax.f32 v4, v7;
	v4 =	vmin.f32 v4, v7  }
0xad: {  	v7 =	vmin.f32 v53, v59;
	v38 =	vmin.f32 v2, v37;
	v2 =	vmax.f32 v2, v37  }
0xae: {  	v41 =	vmin.f32 v3, v35;
	v3 =	vmax.f32 v3, v35;
	v12 =	vmax.f32 v6, v4  }
0xaf: {  	v4 =	vmin.f32 v6, v4;
	v52 =	vmin.f32 v11, v51;
	v39 =	vmin.f32 v5, v38  }
0xb0: {  	v43 =	vld [tilespmem:s13+$0x2300];
	v5 =	vmax.f32 v5, v38;
	v42 =	vmin.f32 v2, v41;
	v2 =	vmax.f32 v2, v41  }
0xb1: {  	v14 =	vmax.f32 v8, v4;
	v4 =	vmin.f32 v8, v4;
	v54 =	vmin.f32 v12, v52  }
0xb2: {  	v6 =	vmax.f32 v12, v52;
	v40 =	vmax.f32 v33, v39;
	v44 =	vmin.f32 v5, v42  }
0xb3: {  	v49 =	vld [tilespmem:s13+$0x2380];
	v5 =	vmax.f32 v5, v42;
	v1 =	vmax.f32 v1, v4;
	v4 =	vmax.f32 v11, v51  }
0xb4: {  	v56 =	vmin.f32 v14, v54;
	v8 =	vmax.f32 v14, v54;
	v45 =	vmin.f32 v40, v44  }
0xb5: {  	v47 =	vmax.f32 v40, v44;
	v51 =	vmin.f32 v3, v43;
	v3 =	vmax.f32 v3, v43  }
0xb6: {  	v57 =	vld [tilespmem:s13+$0x2800];
	v1 =	vmax.f32 v1, v56;
	v11 =	vmax.f32 v4, v7;
	v4 =	vmin.f32 v4, v7  }
0xb7: {  	v7 =	vmin.f32 v19, v25;
	v52 =	vmin.f32 v2, v51;
	v2 =	vmax.f32 v2, v51  }
0xb8: {  	v55 =	vmin.f32 v3, v49;
	v3 =	vmax.f32 v3, v49;
	v12 =	vmax.f32 v6, v4  }
0xb9: {  	v63 =	vld [tilespmem:s13+$0x2880];
	v4 =	vmin.f32 v6, v4;
	v18 =	vmin.f32 v11, v17;
	v53 =	vmin.f32 v5, v52  }
0xba: {  	v5 =	vmax.f32 v5, v52;
	v56 =	vmin.f32 v2, v55;
	v2 =	vmax.f32 v2, v55  }
0xbb: {  	v15 =	vmin.f32 v3, v57;
	v3 =	vmax.f32 v3, v57;
	v14 =	vmax.f32 v8, v4  }
0xbc: {  	v4 =	vmin.f32 v8, v4;
	v20 =	vmin.f32 v12, v18;
	v6 =	vmax.f32 v12, v18  }
0xbd: {  	v21 =	vld [tilespmem:s13+$0x2900];
	v54 =	vmax.f32 v47, v53;
	v58 =	vmin.f32 v5, v56;
	v5 =	vmax.f32 v5, v56  }
0xbe: {  	v16 =	vmin.f32 v2, v15;
	v2 =	vmax.f32 v2, v15;
	v19 =	vmin.f32 v3, v63  }
0xbf: {  	v3 =	vmax.f32 v3, v63;
	v1 =	vmax.f32 v1, v4;
	v4 =	vmax.f32 v11, v17  }
0xc0: {  	v22 =	vmin.f32 v14, v20;
	v8 =	vmax.f32 v14, v20;
	v59 =	vmin.f32 v54, v58  }
0xc1: {  	v27 =	vld [tilespmem:s13+$0x2980];
	v61 =	vmax.f32 v54, v58;
	v17 =	vmin.f32 v5, v16;
	v5 =	vmax.f32 v5, v16  }
0xc2: {  	v20 =	vmin.f32 v2, v19;
	v2 =	vmax.f32 v2, v19;
	v29 =	vmin.f32 v3, v21  }
0xc3: {  	v35 =	vld [tilespmem:s13+$0x2A00];
	v3 =	vmax.f32 v3, v21;
	v1 =	vmax.f32 v1, v22;
	v11 =	vmax.f32 v4, v7  }
0xc4: {  	v4 =	vmin.f32 v4, v7;
	v7 =	vmin.f32 v33, v39;
	v18 =	vmax.f32 v61, v17  }
0xc5: {  	v22 =	vmin.f32 v5, v20;
	v5 =	vmax.f32 v5, v20;
	v30 =	vmin.f32 v2, v29  }
0xc6: {  	v2 =	vmax.f32 v2, v29;
	v33 =	vmin.f32 v3, v27;
	v3 =	vmax.f32 v3, v27  }
0xc7: {  	v12 =	vmax.f32 v6, v4;
	v4 =	vmin.f32 v6, v4;
	v32 =	vmin.f32 v11, v31  }
0xc8: {  	v23 =	vmin.f32 v18, v22;
	v25 =	vmax.f32 v18, v22;
	v43 =	vmin.f32 v3, v35  }
0xc9: {  	v3 =	vmax.f32 v3, v35;
	v14 =	vmax.f32 v8, v4;
	v4 =	vmin.f32 v8, v4  }
0xca: {  	v34 =	vmin.f32 v12, v32;
	v6 =	vmax.f32 v12, v32;
	v1 =	vmax.f32 v1, v4  }
0xcb: {  	v41 =	vld [tilespmem:s13+$0x2A80];
	v4 =	vmax.f32 v11, v31;
	v36 =	vmin.f32 v14, v34;
	v8 =	vmax.f32 v14, v34  }
0xcc: {  	v31 =	vmin.f32 v5, v30;
	v5 =	vmax.f32 v5, v30;
	v34 =	vmin.f32 v2, v33  }
0xcd: {  	v49 =	vld [tilespmem:s13+$0x2B00];
	v2 =	vmax.f32 v2, v33;
	v1 =	vmax.f32 v1, v36;
	v11 =	vmax.f32 v4, v7  }
0xce: {  	v4 =	vmin.f32 v4, v7;
	v7 =	vmin.f32 v47, v53;
	v32 =	vmax.f32 v25, v31  }
0xcf: {  	v36 =	vmin.f32 v5, v34;
	v5 =	vmax.f32 v5, v34;
	v44 =	vmin.f32 v2, v43  }
0xd0: {  	v2 =	vmax.f32 v2, v43;
	v47 =	vmin.f32 v3, v41;
	v3 =	vmax.f32 v3, v41  }
0xd1: {  	v12 =	vmax.f32 v6, v4;
	v4 =	vmin.f32 v6, v4;
	v46 =	vmin.f32 v11, v45  }
0xd2: {  	v37 =	vmin.f32 v32, v36;
	v39 =	vmax.f32 v32, v36;
	v57 =	vmin.f32 v3, v49  }
0xd3: {  	v3 =	vmax.f32 v3, v49;
	v14 =	vmax.f32 v8, v4;
	v4 =	vmin.f32 v8, v4  }
0xd4: {  	v48 =	vmin.f32 v12, v46;
	v6 =	vmax.f32 v12, v46;
	v1 =	vmax.f32 v1, v4  }
0xd5: {  	v55 =	vld [tilespmem:s13+$0x2B80];
	v4 =	vmax.f32 v11, v45;
	v50 =	vmin.f32 v14, v48;
	v8 =	vmax.f32 v14, v48  }
0xd6: {  	v45 =	vmin.f32 v5, v44;
	v5 =	vmax.f32 v5, v44;
	v48 =	vmin.f32 v2, v47  }
0xd7: {  	v63 =	vld [tilespmem:s13+$0x3000];
	v2 =	vmax.f32 v2, v47;
	v1 =	vmax.f32 v1, v50;
	v11 =	vmax.f32 v4, v7  }
0xd8: {  	v4 =	vmin.f32 v4, v7;
	v7 =	vmin.f32 v61, v17;
	v46 =	vmax.f32 v39, v45  }
0xd9: {  	v50 =	vmin.f32 v5, v48;
	v5 =	vmax.f32 v5, v48;
	v58 =	vmin.f32 v2, v57  }
0xda: {  	v2 =	vmax.f32 v2, v57;
	v61 =	vmin.f32 v3, v55;
	v3 =	vmax.f32 v3, v55  }
0xdb: {  	v12 =	vmax.f32 v6, v4;
	v4 =	vmin.f32 v6, v4;
	v60 =	vmin.f32 v11, v59  }
0xdc: {  	v51 =	vmin.f32 v46, v50;
	v53 =	vmax.f32 v46, v50;
	v22 =	vmin.f32 v3, v63  }
0xdd: {  	v3 =	vmax.f32 v3, v63;
	v14 =	vmax.f32 v8, v4;
	v4 =	vmin.f32 v8, v4  }
0xde: {  	v62 =	vmin.f32 v12, v60;
	v6 =	vmax.f32 v12, v60;
	v1 =	vmax.f32 v1, v4  }
0xdf: {  	v4 =	vmax.f32 v11, v59;
	v12 =	vmin.f32 v14, v62;
	v8 =	vmax.f32 v14, v62  }
0xe0: {  	v59 =	vmin.f32 v5, v58;
	v5 =	vmax.f32 v5, v58;
	v62 =	vmin.f32 v2, v61  }
0xe1: {  	v2 =	vmax.f32 v2, v61;
	v1 =	vmax.f32 v1, v12;
	v11 =	vmax.f32 v4, v7  }
0xe2: {  	v4 =	vmin.f32 v4, v7;
	v7 =	vmin.f32 v25, v31;
	v60 =	vmax.f32 v53, v59  }
0xe3: {  	v20 =	vld [tilespmem:s13+$0x3080];
	v15 =	vmin.f32 v5, v62;
	v5 =	vmax.f32 v5, v62;
	v12 =	vmax.f32 v6, v4  }
0xe4: {  	v4 =	vmin.f32 v6, v4;
	v24 =	vmin.f32 v11, v23;
	v16 =	vmin.f32 v60, v15  }
0xe5: {  	v18 =	vmax.f32 v60, v15;
	v14 =	vmax.f32 v8, v4;
	v4 =	vmin.f32 v8, v4  }
0xe6: {  	v26 =	vmin.f32 v12, v24;
	v6 =	vmax.f32 v12, v24;
	v1 =	vmax.f32 v1, v4  }
0xe7: {  	v4 =	vmax.f32 v11, v23;
	v28 =	vmin.f32 v14, v26;
	v8 =	vmax.f32 v14, v26  }
0xe8: {  	v23 =	vmin.f32 v2, v22;
	v2 =	vmax.f32 v2, v22;
	v26 =	vmin.f32 v3, v20  }
0xe9: {  	v3 =	vmax.f32 v3, v20;
	v1 =	vmax.f32 v1, v28;
	v11 =	vmax.f32 v4, v7  }
0xea: {  	v4 =	vmin.f32 v4, v7;
	v7 =	vmin.f32 v39, v45;
	v24 =	vmin.f32 v5, v23  }
0xeb: {  	v5 =	vmax.f32 v5, v23;
	v27 =	vmin.f32 v2, v26;
	v2 =	vmax.f32 v2, v26  }
0xec: {  	v12 =	vmax.f32 v6, v4;
	v4 =	vmin.f32 v6, v4;
	v38 =	vmin.f32 v11, v37  }
0xed: {  	v25 =	vmax.f32 v18, v24;
	v29 =	vmin.f32 v5, v27;
	v5 =	vmax.f32 v5, v27  }
0xee: {  	v28 =	vld [tilespmem:s13+$0x3100];
	v14 =	vmax.f32 v8, v4;
	v4 =	vmin.f32 v8, v4;
	v40 =	vmin.f32 v12, v38  }
0xef: {  	v6 =	vmax.f32 v12, v38;
	v30 =	vmin.f32 v25, v29;
	v32 =	vmax.f32 v25, v29  }
0xf0: {  	v1 =	vmax.f32 v1, v4;
	v4 =	vmax.f32 v11, v37;
	v42 =	vmin.f32 v14, v40  }
0xf1: {  	v34 =	vld [tilespmem:s13+$0x3180];
	v8 =	vmax.f32 v14, v40;
	v11 =	vmax.f32 v4, v7;
	v4 =	vmin.f32 v4, v7  }
0xf2: {  	v1 =	vmax.f32 v1, v42;
	v7 =	vmin.f32 v53, v59;
	v12 =	vmax.f32 v6, v4  }
0xf3: {  	v4 =	vmin.f32 v6, v4;
	v52 =	vmin.f32 v11, v51;
	v36 =	vmin.f32 v3, v28  }
0xf4: {  	v3 =	vmax.f32 v3, v28;
	v14 =	vmax.f32 v8, v4;
	v4 =	vmin.f32 v8, v4  }
0xf5: {  	v54 =	vmin.f32 v12, v52;
	v6 =	vmax.f32 v12, v52;
	v37 =	vmin.f32 v2, v36  }
0xf6: {  	v2 =	vmax.f32 v2, v36;
	v40 =	vmin.f32 v3, v34;
	v3 =	vmax.f32 v3, v34  }
0xf7: {  	v1 =	vmax.f32 v1, v4;
	v4 =	vmax.f32 v11, v51;
	v56 =	vmin.f32 v14, v54  }
0xf8: {  	v42 =	vld [tilespmem:s13+$0x3200];
	v8 =	vmax.f32 v14, v54;
	v38 =	vmin.f32 v5, v37;
	v5 =	vmax.f32 v5, v37  }
0xf9: {  	v41 =	vmin.f32 v2, v40;
	v2 =	vmax.f32 v2, v40;
	v1 =	vmax.f32 v1, v56  }
0xfa: {  	v11 =	vmax.f32 v4, v7;
	v4 =	vmin.f32 v4, v7;
	v7 =	vmin.f32 v18, v24  }
0xfb: {  	v48 =	vld [tilespmem:s13+$0x3280];
	v39 =	vmax.f32 v32, v38;
	v43 =	vmin.f32 v5, v41;
	v5 =	vmax.f32 v5, v41  }
0xfc: {  	v12 =	vmax.f32 v6, v4;
	v4 =	vmin.f32 v6, v4;
	v17 =	vmin.f32 v11, v16  }
0xfd: {  	v44 =	vmin.f32 v39, v43;
	v46 =	vmax.f32 v39, v43;
	v50 =	vmin.f32 v3, v42  }
0xfe: {  	v3 =	vmax.f32 v3, v42;
	v14 =	vmax.f32 v8, v4;
	v4 =	vmin.f32 v8, v4  }
0xff: {  	v19 =	vmin.f32 v12, v17;
	v6 =	vmax.f32 v12, v17;
	v51 =	vmin.f32 v2, v50  }
0x100: {  	v2 =	vmax.f32 v2, v50;
	v54 =	vmin.f32 v3, v48;
	v3 =	vmax.f32 v3, v48  }
0x101: {  	v1 =	vmax.f32 v1, v4;
	v4 =	vmax.f32 v11, v16;
	v21 =	vmin.f32 v14, v19  }
0x102: {  	v8 =	vmax.f32 v14, v19;
	v52 =	vmin.f32 v5, v51;
	v5 =	vmax.f32 v5, v51  }
0x103: {  	v55 =	vmin.f32 v2, v54;
	v2 =	vmax.f32 v2, v54;
	v1 =	vmax.f32 v1, v21  }
0x104: {  	v11 =	vmax.f32 v4, v7;
	v4 =	vmin.f32 v4, v7;
	v7 =	vmin.f32 v32, v38  }
0x105: {  	v53 =	vmax.f32 v46, v52;
	v57 =	vmin.f32 v5, v55;
	v5 =	vmax.f32 v5, v55  }
0x106: {  	v12 =	vmax.f32 v6, v4;
	v4 =	vmin.f32 v6, v4;
	v31 =	vmin.f32 v11, v30  }
0x107: {  	v58 =	vmin.f32 v53, v57;
	v60 =	vmax.f32 v53, v57;
	v14 =	vmax.f32 v8, v4  }
0x108: {  	v4 =	vmin.f32 v8, v4;
	v33 =	vmin.f32 v12, v31;
	v6 =	vmax.f32 v12, v31  }
0x109: {  	v1 =	vmax.f32 v1, v4;
	v4 =	vmax.f32 v11, v30;
	v35 =	vmin.f32 v14, v33  }
0x10a: {  	v8 =	vmax.f32 v14, v33;
	v11 =	vmax.f32 v4, v7;
	v4 =	vmin.f32 v4, v7  }
0x10b: {  	v1 =	vmax.f32 v1, v35;
	v12 =	vmax.f32 v6, v4;
	v4 =	vmin.f32 v6, v4  }
0x10c: {  	v7 =	vmin.f32 v46, v52;
	v45 =	vmin.f32 v11, v44;
	v14 =	vmax.f32 v8, v4  }
0x10d: {  	v56 =	vld [tilespmem:s13+$0x3300];
	v4 =	vmin.f32 v8, v4;
	v47 =	vmin.f32 v12, v45;
	v6 =	vmax.f32 v12, v45  }
0x10e: {  	v1 =	vmax.f32 v1, v4;
	v4 =	vmax.f32 v11, v44;
	v49 =	vmin.f32 v14, v47  }
0x10f: {  	v8 =	vmax.f32 v14, v47;
	v11 =	vmax.f32 v4, v7;
	v4 =	vmin.f32 v4, v7  }
0x110: {  	v62 =	vld [tilespmem:s13+$0x3380];
	v1 =	vmax.f32 v1, v49;
	v12 =	vmax.f32 v6, v4;
	v4 =	vmin.f32 v6, v4  }
0x111: {  	v59 =	vmin.f32 v11, v58;
	v14 =	vmax.f32 v8, v4;
	v4 =	vmin.f32 v8, v4  }
0x112: {  	v19 =	vld [tilespmem:s13+$0x3800];
	v61 =	vmin.f32 v12, v59;
	v6 =	vmax.f32 v12, v59;
	v12 =	vmin.f32 v3, v56  }
0x113: {  	v3 =	vmax.f32 v3, v56;
	v1 =	vmax.f32 v1, v4;
	v4 =	vmax.f32 v11, v58  }
0x114: {  	v63 =	vmin.f32 v14, v61;
	v8 =	vmax.f32 v14, v61;
	v14 =	vmin.f32 v2, v12  }
0x115: {  	v25 =	vld [tilespmem:s13+$0x3880];
	v2 =	vmax.f32 v2, v12;
	v17 =	vmin.f32 v3, v62;
	v3 =	vmax.f32 v3, v62  }
0x116: {  	v1 =	vmax.f32 v1, v63;
	v15 =	vmin.f32 v5, v14;
	v5 =	vmax.f32 v5, v14  }
0x117: {  	v18 =	vmin.f32 v2, v17;
	v2 =	vmax.f32 v2, v17;
	v27 =	vmin.f32 v3, v19  }
0x118: {  	v33 =	vld [tilespmem:s13+$0x3900];
	v3 =	vmax.f32 v3, v19;
	v16 =	vmax.f32 v60, v15;
	v7 =	vmin.f32 v60, v15  }
0x119: {  	v20 =	vmin.f32 v5, v18;
	v5 =	vmax.f32 v5, v18;
	v28 =	vmin.f32 v2, v27  }
0x11a: {  	v2 =	vmax.f32 v2, v27;
	v31 =	vmin.f32 v3, v25;
	v3 =	vmax.f32 v3, v25  }
0x11b: {  	v11 =	vmax.f32 v4, v7;
	v4 =	vmin.f32 v4, v7;
	v21 =	vmin.f32 v16, v20  }
0x11c: {  	v39 =	vld [tilespmem:s13+$0x3980];
	v23 =	vmax.f32 v16, v20;
	v29 =	vmin.f32 v5, v28;
	v5 =	vmax.f32 v5, v28  }
0x11d: {  	v32 =	vmin.f32 v2, v31;
	v2 =	vmax.f32 v2, v31;
	v41 =	vmin.f32 v3, v33  }
0x11e: {  	v3 =	vmax.f32 v3, v33;
	v12 =	vmax.f32 v6, v4;
	v4 =	vmin.f32 v6, v4  }
0x11f: {  	v22 =	vmin.f32 v11, v21;
	v30 =	vmax.f32 v23, v29;
	v7 =	vmin.f32 v23, v29  }
0x120: {  	v47 =	vld [tilespmem:s13+$0x3A00];
	v34 =	vmin.f32 v5, v32;
	v5 =	vmax.f32 v5, v32;
	v42 =	vmin.f32 v2, v41  }
0x121: {  	v2 =	vmax.f32 v2, v41;
	v45 =	vmin.f32 v3, v39;
	v3 =	vmax.f32 v3, v39  }
0x122: {  	v14 =	vmax.f32 v8, v4;
	v4 =	vmin.f32 v8, v4;
	v24 =	vmin.f32 v12, v22  }
0x123: {  	v6 =	vmax.f32 v12, v22;
	v35 =	vmin.f32 v30, v34;
	v37 =	vmax.f32 v30, v34  }
0x124: {  	v53 =	vld [tilespmem:s13+$0x3A80];
	v43 =	vmin.f32 v5, v42;
	v5 =	vmax.f32 v5, v42;
	v46 =	vmin.f32 v2, v45  }
0x125: {  	v2 =	vmax.f32 v2, v45;
	v55 =	vmin.f32 v3, v47;
	v3 =	vmax.f32 v3, v47  }
0x126: {  	v1 =	vmax.f32 v1, v4;
	v4 =	vmax.f32 v11, v21;
	v26 =	vmin.f32 v14, v24  }
0x127: {  	v8 =	vmax.f32 v14, v24;
	v44 =	vmax.f32 v37, v43;
	v48 =	vmin.f32 v5, v46  }
0x128: {  	v63 =	vld [tilespmem:s13+$0x3B00];
	v5 =	vmax.f32 v5, v46;
	v56 =	vmin.f32 v2, v55;
	v2 =	vmax.f32 v2, v55  }
0x129: {  	v59 =	vmin.f32 v3, v53;
	v3 =	vmax.f32 v3, v53;
	v1 =	vmax.f32 v1, v26  }
0x12a: {  	v11 =	vmax.f32 v4, v7;
	v4 =	vmin.f32 v4, v7;
	v7 =	vmin.f32 v37, v43  }
0x12b: {  	v17 =	vld [tilespmem:s13+$0x3B80];
	v49 =	vmin.f32 v44, v48;
	v51 =	vmax.f32 v44, v48;
	v57 =	vmin.f32 v5, v56  }
0x12c: {  	v5 =	vmax.f32 v5, v56;
	v60 =	vmin.f32 v2, v59;
	v2 =	vmax.f32 v2, v59  }
0x12d: {  	v22 =	vmax.f32 v3, v63;
	v3 =	vmin.f32 v3, v63;
	v12 =	vmax.f32 v6, v4  }
0x12e: {  	v4 =	vmin.f32 v6, v4;
	v36 =	vmin.f32 v11, v35;
	v58 =	vmax.f32 v51, v57  }
0x12f: {  	v62 =	vmin.f32 v5, v60;
	v5 =	vmax.f32 v5, v60;
	v23 =	vmax.f32 v2, v3  }
0x130: {  	v2 =	vmin.f32 v2, v3;
	v3 =	vmax.f32 v22, v17;
	v27 =	vmin.f32 v22, v17  }
0x131: {  	v14 =	vmax.f32 v8, v4;
	v4 =	vmin.f32 v8, v4;
	v38 =	vmin.f32 v12, v36  }
0x132: {  	v6 =	vmax.f32 v12, v36;
	v16 =	vmin.f32 v58, v62;
	v19 =	vmax.f32 v58, v62  }
0x133: {  	v24 =	vmax.f32 v5, v2;
	v2 =	vmin.f32 v5, v2;
	v25 =	vsub.f32 v3, v3  }
0x134: {  	v9 =	vmax.f32 v23, v27;
	v29 =	vmin.f32 v23, v27;
	v1 =	vmax.f32 v1, v4  }
0x135: {  	v4 =	vmax.f32 v11, v35;
	v40 =	vmin.f32 v14, v38;
	v8 =	vmax.f32 v14, v38  }
0x136: {  	v26 =	vmax.f32 v19, v2;
	v2 =	vmin.f32 v19, v2;
	v30 =	vsub.f32 v9, v3  }
0x137: {  	v32 =	vmax.f32 v24, v29;
	v1 =	vmax.f32 v1, v40;
	v11 =	vmax.f32 v4, v7  }
0x138: {  	v4 =	vmin.f32 v4, v7;
	v7 =	vmin.f32 v51, v57;
	v5 =	vmul.f32 $1.442695020e+00, v25  }
0x139: {  	v33 =	vsub.f32 v32, v3;
	v12 =	vmax.f32 v6, v4;
	v4 =	vmin.f32 v6, v4  }
0x13a: {  	v50 =	vmin.f32 v11, v49;
	v14 =	vmax.f32 v8, v4;
	v4 =	vmin.f32 v8, v4  }
0x13b: {  	v52 =	vmin.f32 v12, v50;
	v6 =	vmax.f32 v12, v50;
	(erf) = vpow2.f32 v5  }
0x13c: {  	v35 =	vmul.f32 $1.442695020e+00, v33;
	v1 =	vmax.f32 v1, v4;
	v54 =	vmin.f32 v14, v52  }
0x13d: {  	v4 =	vmax.f32 v11, v49;
	v8 =	vmax.f32 v14, v52;
	v1 =	vmax.f32 v1, v54  }
0x13e: {  	v11 =	vmax.f32 v4, v7;
	v4 =	vmin.f32 v4, v7;
	v7 =	vmul.f32 $1.442695020e+00, v30  }
0x13f: {  	v12 =	vmax.f32 v6, v4;
	v4 =	vmin.f32 v6, v4;
	v18 =	vmin.f32 v11, v16  }
0x140: {  	v61 =	vmax.f32 v8, v4;
	v4 =	vmin.f32 v8, v4;
	v20 =	vmin.f32 v12, v18  }
0x141: {  	v6 =	vmax.f32 v12, v18;
	(erf) = vpow2.f32 v7;
	v1 =	vmax.f32 v1, v4  }
0x142: {  	v4 =	vmax.f32 v11, v16;
	v21 =	vmax.f32 v61, v20;
	v8 =	vmin.f32 v61, v20  }
0x143: {  	v28 =	vmax.f32 v4, v2;
	v2 =	vmin.f32 v4, v2;
	v4 =	vmin.f32 v24, v29  }
0x144: {  	(erf) = vpow2.f32 v35;
	v1 =	vmax.f32 v1, v8;
	v34 =	vmax.f32 v26, v4  }
0x145: {  	v31 =	vmax.f32 v6, v2;
	v4 =	vmin.f32 v26, v4;
	v36 =	vsub.f32 v34, v3  }
0x146: {  	v2 =	vmin.f32 v6, v2;
	v13 =	vmax.f32 v28, v4;
	v4 =	vmin.f32 v28, v4  }
0x147: {  	v37 =	vmax.f32 v21, v2;
	v39 =	vsub.f32 v13, v3;
	v38 =	vmul.f32 $1.442695020e+00, v36  }
0x148: {  	v2 =	vmin.f32 v21, v2;
	v40 =	vmax.f32 v31, v4;
	v4 =	vmin.f32 v31, v4  }
0x149: {  	v42 =	vsub.f32 v40, v3;
	v41 =	vmul.f32 $1.442695020e+00, v39;
	(erf) = vpow2.f32 v38  }
0x14a: {  	v1 =	vmax.f32 v1, v2;
	v2 =	vmax.f32 v37, v4;
	v4 =	vmin.f32 v37, v4  }
0x14b: {  	v43 =	vpop (erf);
	v45 =	vsub.f32 v2, v3;
	v44 =	vmul.f32 $1.442695020e+00, v42;
	(erf) = vpow2.f32 v41  }
0x14c: {  	v46 =	vadd.f32 $0.0e+00, v43;
	v1 =	vmax.f32 v1, v4  }
0x14d: {  	v48 =	vsub.f32 v1, v3;
	v47 =	vmul.f32 $1.442695020e+00, v45;
	(erf) = vpow2.f32 v44  }
0x14e: {  	v49 =	vpop (erf)  }
0x14f: {  	v4 =	vadd.f32 v49, v46;
	v50 =	vmul.f32 $1.442695020e+00, v48;
	(erf) = vpow2.f32 v47  }
0x150: {  	v51 =	vpop (erf)  }
0x151: {  	v4 =	vadd.f32 v51, v4;
	(erf) = vpow2.f32 v50  }
0x152: {  	v52 =	vpop (erf)  }
0x153: {  	v4 =	vadd.f32 v52, v4  }
0x154: {  	v53 =	vpop (erf)  }
0x155: {  	v4 =	vadd.f32 v53, v4  }
0x156: {  	v54 =	vpop (erf)  }
0x157: {  	v4 =	vadd.f32 v54, v4  }
0x158: {  	vm0 =	vgt.f32 v3, v1;
	vm1 =	vgt.f32 v9, v1;
	v55 =	vpop (erf)  }
0x159: {  	v56 =	vsel vm0, $0x3F800000, v0;
	v9 =	vsel vm1, $0x3F800000, v0;
	v4 =	vadd.f32 v55, v4  }
0x15a: {  	vm11 =	vgt.f32 v32, v1;
	v57 =	vadd.f32 v9, v56;
	v58 =	vpop (erf)  }
0x15b: {  	v59 =	vsel vm11, $0x3F800000, v0;
	v4 =	vadd.f32 v58, v4  }
0x15c: {  	vm12 =	vgt.f32 v34, v1;
	v60 =	vadd.f32 v57, v59  }
0x15d: {  	v6 =	vsel vm12, $0x3F800000, v0;
	(erf) = vrcp.f32 v4  }
0x15e: {  	vm13 =	vgt.f32 v13, v1;
	v61 =	vadd.f32 v60, v6  }
0x15f: {  	v62 =	vsel vm13, $0x3F800000, v0  }
0x160: {  	vm14 =	vgt.f32 v40, v1;
	v4 =	vadd.f32 v61, v62  }
0x161: {  	v63 =	vsel vm14, $0x3F800000, v0  }
0x162: {  	vm15 =	vgt.f32 v2, v1;
	v4 =	vadd.f32 v4, v63  }
0x163: {  	p0 =	sne.s32 s12, $0xF0;
	v2 =	vsel vm15, $0x3F800000, v0  }
.Ltmp0:
0x164: {  	v2 =	vadd.f32 v4, v2;
	(pc) =	sbr.rel @p0 .LBB2_2-.Ltmp0, $4  }
0x165: {  	[tilespmem:s13+$0x4000] =	vst v1  }
0x166: {  	[tilespmem:s31+$0x4000] =	vst v3;
	v2 =	vsub.f32 $8.000000000e+00, v2;
	v1 =	vpop (erf)  }
0x167: {  	[tilespmem:s13+$0x4100] =	vst v1  }
0x168: {  	s11 =	sadd.s32 $0x80, s11;
	s12 =	sadd.s32 $0x10, s12;
	[tilespmem:s14+$0x4000] =	vst v2  }
0x169: {  	s10 =	sadd.s32 $0x1, s10  }
0x16a: {  	p0 =	sne.s32 s10, s5  }
.Ltmp1:
0x16b: {  	_ = 	snop;
	(pc) =	sbr.rel @p0 .LBB2_1-.Ltmp1, $4  }
0x16c: {  	[hbm4b:s4+s2] =	stream.linear.scatter [tilespmem:s9], [sflag:$0x1], $0x800, $0x38;
	[tilespmem:$0x4800] =	vst v63  }
0x16d: {  	_ =	swait.ge [sflag:s8], $0x800  }
0x16e: {  	[sflag:s8] =	ssyncset.done $0x0  }
0x16f: {  	[sflag:s8] =	ssyncadd.s32 $0xFFFFF800  }
0x170: {  	_ =	sfence.sel $0x180000  }
0x171: {  	[bflag:$0x0] =	sbarrier.arrive $0xFFFF  }
0x172: {  	p0 =	sne.s32 s1, $0x0;
	_ =	strace $0x90000047  }
0x173: {  	s0 =	sadd.s32 @!p0 $0x100000, s0;
	[bflag:$0x2] =	sbarrier.arrive $0xFFFF  }
0x174: {  	[sflag:s0] =	ssyncadd.tile.s32 @!p0 $0x1;
	_ =	shalt  }
.Lfunc_end2:
_tile_overlayer_lowered:
.L_overlay_start_2:
0x175: {  	(tag) =	ssettag $0x2  }
0x176: {  	s0 =	rddreg [dreg:$0x0];
	s2 =	stileid.u32  }
0x177: {  	s1 =	rddreg [dreg:$0x1];
	p0 =	sne.s32 s2, $0x0  }
0x178: {  	s3 =	rddreg [dreg:$0x2];
	[bflag:$0x3] =	sbarrier.arrive $0xFFFF;
	s2 =	simm.s32 @!p0 $0x1C01  }
0x179: {  	[timem:s3], [sflag:s2] =	dma.local @!p0 [hbm:s0], s1  }
0x17a: {  	s0 =	simm.s32 @!p0 $0x1  }
0x17b: {  	_ =	swait.ge @!p0 [sflag:s0], s1  }
0x17c: {  	s1 =	ssub.s32 @!p0 $0x0, s1;
	[sflag:s0] =	ssyncset.done @!p0 $0x0  }
0x17d: {  	[sflag:s0] =	ssyncadd.s32 @!p0 s1  }
0x17e: {  	[bflag:$0x3] =	sbarrier.arrive $0xFFFF  }
0x17f: {  	_ =	shalt  }

</sc_bundles>
